<compile_context>
chip_gen: v7x
topology: tpu7x:2x2x1
jax: 0.10.2.dev20260603
libtpu: 0.0.44.dev20260713+nightly
codegen_flags: <defaults>
</compile_context>

<pallas_src>
import functools

import jax
import jax.numpy as jnp
from jax import lax
from jax.experimental import pallas as pl
from jax.experimental.pallas import tpu as pltpu
from jax.experimental.pallas import tpu_sc as plsc

_B, _S, _H, _L = 16, 64, 1024, 2048
_LANES = 16
_NW = 32
_RPW = (_B * _L) // _NW
_ZROW = _S
_ZN = 32


def _body(doc_hbm, wns_hbm, dl_hbm, out_hbm,
          table_v, wns_v, dl_v, ends_v, idx_v, sem, tsem):
    nc = 2
    wid = lax.axis_index("s") * nc + lax.axis_index("c")
    b = wid // 2
    half = wid % 2
    out_base = wid * _RPW
    tpos0 = half * _RPW

    pltpu.sync_copy(wns_hbm.at[b], wns_v)
    pltpu.sync_copy(dl_hbm, dl_v)
    table_cp = pltpu.make_async_copy(
        doc_hbm.at[b], table_v.at[pl.ds(0, _S)], tsem)
    table_cp.start()
    fz = jnp.zeros((_LANES,), jnp.float32)

    def zrow(i, acc):
        for j in range(_H // _LANES):
            table_v[_ZROW + i, pl.ds(j * _LANES, _LANES)] = fz
        return acc

    lax.fori_loop(0, _ZN, zrow, 0)

    zcarry = jnp.int32(0)
    carry = jnp.int32(0)
    for c in range(_S // _LANES):
        wv = wns_v[pl.ds(c * _LANES, _LANES)]
        cz = plsc.cumsum((wv == 0).astype(jnp.int32)) + zcarry
        eff = jnp.where(cz == 0, wv, 0)
        ce = plsc.cumsum(eff) + carry
        ends_v[pl.ds(c * _LANES, _LANES)] = ce
        zcarry = jnp.max(cz)
        carry = jnp.max(ce)

    dlv = dl_v[...]
    lane = lax.iota(jnp.int32, _LANES)
    e_last = plsc.load_gather(ends_v, [jnp.full((_LANES,), _S - 1, jnp.int32)])

    def idx_group(i, acc):
        t = tpos0 + i * _LANES + lane
        sid = jnp.zeros((_LANES,), jnp.int32)
        for step in (32, 16, 8, 4, 2, 1):
            probe = sid + (step - 1)
            e = plsc.load_gather(ends_v, [probe])
            sid = jnp.where(e <= t, sid + step, sid)
        valid = (e_last > t) & (t < dlv)
        idx_v[pl.ds(i * _LANES, _LANES)] = jnp.where(valid, sid, _ZROW)
        return acc

    total = carry
    dl_s = jnp.max(dlv)
    bound = jnp.clip(jnp.minimum(total, dl_s) - tpos0, 0, _RPW)
    bound_up = ((bound + _ZN - 1) // _ZN) * _ZN
    lax.fori_loop(0, bound_up // _LANES, idx_group, 0)
    table_cp.wait()

    def issue(r, acc):
        srow = jnp.max(plsc.load_gather(idx_v, [jnp.full((_LANES,), r, jnp.int32)]))
        pltpu.make_async_copy(
            table_v.at[pl.ds(srow, 1)],
            out_hbm.at[pl.ds(out_base + r, 1)],
            sem).start()
        return acc

    lax.fori_loop(0, bound_up, issue, 0)

    def issue_zero(g, acc):
        pltpu.make_async_copy(
            table_v.at[pl.ds(_ZROW, _ZN)],
            out_hbm.at[pl.ds(out_base + g * _ZN, _ZN)],
            sem).start()
        return acc

    lax.fori_loop(bound_up // _ZN, _RPW // _ZN, issue_zero, 0)

    def drain(g, acc):
        pltpu.make_async_copy(
            table_v.at[pl.ds(_ZROW, _ZN)],
            out_hbm.at[pl.ds(out_base, _ZN)],
            sem).wait()
        return acc

    lax.fori_loop(0, _RPW // _ZN, drain, 0)


def kernel(doc_s, doc_len, wns):
    wns32 = wns.astype(jnp.int32)
    dl = jnp.broadcast_to(jnp.asarray(doc_len, jnp.int32), (_LANES,))

    run = functools.partial(
        pl.kernel,
        mesh=plsc.VectorSubcoreMesh(core_axis_name="c", subcore_axis_name="s"),
        compiler_params=pltpu.CompilerParams(needs_layout_passes=False),
        out_type=jax.ShapeDtypeStruct((_B * _L, _H), jnp.float32),
        scratch_types=[
            pltpu.VMEM((_S + _ZN, _H), jnp.float32),
            pltpu.VMEM((_S,), jnp.int32),
            pltpu.VMEM((_LANES,), jnp.int32),
            pltpu.VMEM((_S,), jnp.int32),
            pltpu.VMEM((_RPW,), jnp.int32),
            pltpu.SemaphoreType.DMA,
            pltpu.SemaphoreType.DMA,
        ],
    )(_body)

    out = run(doc_s, wns32, dl)
    return out.reshape(_B, _L, _H)

# --- scband reference (transcript-rebuilt; emitter-appended) ---
"""Pipeline reference for scband-sent-gate-12627203850779 (READ-ONLY COPY).

The authoritative reference and input builder live on the scoring server;
editing this copy changes nothing except your own understanding.
"""

import jax, jax.numpy as jnp
import numpy as np


def setup_inputs(seed: int = 0) -> dict:
    key = jax.random.key(seed)
    k1, k2 = jax.random.split(key)
    doc_s = jax.random.normal(k1, (16, 64, 1024), dtype=jnp.float32)
    wns = jax.random.randint(k2, (16, 64), 0, 32)
    return {"doc_s": doc_s, "doc_len": 2048, "wns": wns}


def reference(doc_s, doc_len, wns):
    # Faithful translation of SentGate.forward:
    # each word position in sentence j's span gets doc_s[i, j, :];
    # the per-batch loop breaks at the first sentence with word count 0,
    # and positions past the filled span stay zero.
    B, S, H2 = doc_s.shape
    wns_i = wns.astype(jnp.int32)
    # zero out all sentence lengths at/after the first zero (the `break`)
    alive = jnp.cumprod((wns_i > 0).astype(jnp.int32), axis=1)
    wns_eff = wns_i * alive  # [B, S]
    ends = jnp.cumsum(wns_eff, axis=1)  # [B, S] exclusive span ends
    total = ends[:, -1]  # [B] total filled words per doc
    L = 2048  # static length; setup_inputs always passes doc_len == 2048
    pos = jnp.arange(L, dtype=jnp.int32)  # [L]
    # sentence id of word position t: number of span-ends <= t
    sid = jnp.sum((ends[:, None, :] <= pos[None, :, None]).astype(jnp.int32), axis=-1)  # [B, L]
    sid_c = jnp.minimum(sid, S - 1)
    gathered = jnp.take_along_axis(doc_s, sid_c[..., None], axis=1)  # [B, L, H2]
    doc_len_i = jnp.asarray(doc_len, dtype=jnp.int32)
    valid = (pos[None, :] < total[:, None]) & (pos[None, :] < doc_len_i)  # [B, L]
    score = jnp.where(valid[..., None], gathered, jnp.zeros((), dtype=doc_s.dtype))
    return score

if __name__ == "__main__":
    import jax
    _d = setup_inputs()
    print(jax.jit(kernel)(*tuple(_d.values())))

</pallas_src>

<mosaic_0001>
#map = affine_map<(d0, d1) -> (0, 0, 0)>
#map1 = affine_map<(d0, d1) -> (0, 0)>
#map2 = affine_map<(d0, d1) -> (0)>
module attributes {stable_mosaic.version = 14 : i64} {
  func.func @_body(%arg0: i32, %arg1: i32, %arg2: memref<16x64x1024xf32, #tpu.memory_space<hbm>>, %arg3: memref<16x64xi32, #tpu.memory_space<hbm>>, %arg4: memref<16xi32, #tpu.memory_space<hbm>>, %arg5: memref<32768x1024xf32, #tpu.memory_space<hbm>>, %arg6: memref<96x1024xf32, #tpu.memory_space<vmem>>, %arg7: memref<64xi32, #tpu.memory_space<vmem>>, %arg8: memref<16xi32, #tpu.memory_space<vmem>>, %arg9: memref<64xi32, #tpu.memory_space<vmem>>, %arg10: memref<1024xi32, #tpu.memory_space<vmem>>, %arg11: memref<!tpu.dma_semaphore, #tpu.memory_space<semaphore_mem>>, %arg12: memref<!tpu.dma_semaphore, #tpu.memory_space<semaphore_mem>>) attributes {dimension_semantics = [#tpu.dimension_semantics<core_parallel>, #tpu.dimension_semantics<subcore_parallel>], iteration_bounds = array<i64: 2, 16>, scalar_prefetch = 0 : i64, scratch_operands = 7 : i64, tpu.core_type = #tpu.core_type<sc_vector_subcore>, window_params = [{transform_indices = #map}, {transform_indices = #map1}, {transform_indices = #map2}, {transform_indices = #map1}]} {
    %mul3A = arith.constant 2 : i32
    %mul3A_0 = arith.muli %arg1, %mul3A : i32
    %add3A = arith.addi %mul3A_0, %arg0 : i32
    %jit3A = arith.constant 2 : i32
    %div3A = arith.divsi %add3A, %jit3A : i32
    %sign3A = arith.constant 0 : i32
    %sign3A_1 = arith.cmpi sgt, %add3A, %sign3A : i32
    %sign3A_2 = arith.extui %sign3A_1 : i1 to i32
    %sign3A_3 = arith.constant 0 : i32
    %sign3A_4 = arith.cmpi slt, %add3A, %sign3A_3 : i32
    %sign3A_5 = arith.extui %sign3A_4 : i1 to i32
    %sign3A_6 = arith.subi %sign3A_2, %sign3A_5 : i32
    %sign3A_7 = arith.constant 0 : i32
    %sign3A_8 = arith.cmpi sgt, %jit3A, %sign3A_7 : i32
    %sign3A_9 = arith.extui %sign3A_8 : i1 to i32
    %sign3A_10 = arith.constant 0 : i32
    %sign3A_11 = arith.cmpi slt, %jit3A, %sign3A_10 : i32
    %sign3A_12 = arith.extui %sign3A_11 : i1 to i32
    %sign3A_13 = arith.subi %sign3A_9, %sign3A_12 : i32
    %ne3A = arith.cmpi ne, %sign3A_6, %sign3A_13 : i32
    %rem3A = arith.remsi %add3A, %jit3A : i32
    %ne3A_14 = arith.constant 0 : i32
    %ne3A_15 = arith.cmpi ne, %rem3A, %ne3A_14 : i32
    %and3A = arith.andi %ne3A, %ne3A_15 : i1
    %sub3A = arith.constant 1 : i32
    %sub3A_16 = arith.subi %div3A, %sub3A : i32
    %select_n3A = arith.select %and3A, %sub3A_16, %div3A : i32
    %jit3A_17 = arith.constant 2 : i32
    %eq3A = arith.constant 0 : i32
    %eq3A_18 = arith.cmpi eq, %jit3A_17, %eq3A : i32
    %jit3A_19 = arith.constant 1 : i32
    %select_n3A_20 = arith.select %eq3A_18, %jit3A_19, %jit3A_17 : i32
    %rem3A_21 = arith.remsi %add3A, %select_n3A_20 : i32
    %ne3A_22 = arith.constant 0 : i32
    %ne3A_23 = arith.cmpi ne, %rem3A_21, %ne3A_22 : i32
    %lt3A = arith.constant 0 : i32
    %lt3A_24 = arith.cmpi slt, %rem3A_21, %lt3A : i32
    %lt3A_25 = arith.constant 0 : i32
    %lt3A_26 = arith.cmpi slt, %select_n3A_20, %lt3A_25 : i32
    %ne3A_27 = arith.xori %lt3A_24, %lt3A_26 : i1
    %and3A_28 = arith.andi %ne3A_27, %ne3A_23 : i1
    %add3A_29 = arith.addi %rem3A_21, %select_n3A_20 : i32
    %select_n3A_30 = arith.select %and3A_28, %add3A_29, %rem3A_21 : i32
    %mul3A_31 = arith.constant 1024 : i32
    %mul3A_32 = arith.muli %add3A, %mul3A_31 : i32
    %mul3A_33 = arith.constant 1024 : i32
    %mul3A_34 = arith.muli %select_n3A_30, %mul3A_33 : i32
    "tpu.region"() ({
      %run_scoped3A = tpu.sem_alloc : memref<!tpu.dma_semaphore, #tpu.memory_space<semaphore_mem>>
      %dma_start3A_353 = arith.constant 0 : i32
      %dma_start3A_354 = tpu.memref_slice %arg3[%select_n3A, %dma_start3A_353] : memref<16x64xi32, #tpu.memory_space<hbm>> -> memref<1x64xi32, #tpu.memory_space<hbm>>
      %dma_start3A_355 = tpu.memref_squeeze %dma_start3A_354 : memref<1x64xi32, #tpu.memory_space<hbm>> -> memref<64xi32, #tpu.memory_space<hbm>>
      %dma_start3A_356 = arith.constant 0 : i32
      %dma_start3A_357 = tpu.memref_slice %arg3[%select_n3A, %dma_start3A_356] : memref<16x64xi32, #tpu.memory_space<hbm>> -> memref<1x64xi32, #tpu.memory_space<hbm>>
      %dma_start3A_358 = tpu.memref_squeeze %dma_start3A_357 : memref<1x64xi32, #tpu.memory_space<hbm>> -> memref<64xi32, #tpu.memory_space<hbm>>
      tpu.enqueue_dma source(%dma_start3A_358 : memref<64xi32, #tpu.memory_space<hbm>>) target(%arg7 : memref<64xi32, #tpu.memory_space<vmem>>) target_semaphore(%run_scoped3A : memref<!tpu.dma_semaphore, #tpu.memory_space<semaphore_mem>>)
      %dma_wait3A_359 = arith.constant 0 : i32
      %dma_wait3A_360 = tpu.memref_slice %arg3[%select_n3A, %dma_wait3A_359] : memref<16x64xi32, #tpu.memory_space<hbm>> -> memref<1x64xi32, #tpu.memory_space<hbm>>
      %dma_wait3A_361 = tpu.memref_squeeze %dma_wait3A_360 : memref<1x64xi32, #tpu.memory_space<hbm>> -> memref<64xi32, #tpu.memory_space<hbm>>
      %dma_wait3A_362 = arith.constant 0 : i32
      %dma_wait3A_363 = tpu.memref_slice %arg3[%select_n3A, %dma_wait3A_362] : memref<16x64xi32, #tpu.memory_space<hbm>> -> memref<1x64xi32, #tpu.memory_space<hbm>>
      %dma_wait3A_364 = tpu.memref_squeeze %dma_wait3A_363 : memref<1x64xi32, #tpu.memory_space<hbm>> -> memref<64xi32, #tpu.memory_space<hbm>>
      tpu.wait_dma2 semaphore(%run_scoped3A : memref<!tpu.dma_semaphore, #tpu.memory_space<semaphore_mem>>) src(%dma_wait3A_364 : memref<64xi32, #tpu.memory_space<hbm>>) dst(%arg7 : memref<64xi32, #tpu.memory_space<vmem>>)
      tpu.yield
    }) : () -> ()
    "tpu.region"() ({
      %run_scoped3A = tpu.sem_alloc : memref<!tpu.dma_semaphore, #tpu.memory_space<semaphore_mem>>
      tpu.enqueue_dma source(%arg4 : memref<16xi32, #tpu.memory_space<hbm>>) target(%arg8 : memref<16xi32, #tpu.memory_space<vmem>>) target_semaphore(%run_scoped3A : memref<!tpu.dma_semaphore, #tpu.memory_space<semaphore_mem>>)
      tpu.wait_dma2 semaphore(%run_scoped3A : memref<!tpu.dma_semaphore, #tpu.memory_space<semaphore_mem>>) src(%arg4 : memref<16xi32, #tpu.memory_space<hbm>>) dst(%arg8 : memref<16xi32, #tpu.memory_space<vmem>>)
      tpu.yield
    }) : () -> ()
    %dma_start3A = arith.constant 0 : i32
    %dma_start3A_35 = arith.constant 0 : i32
    %dma_start3A_36 = tpu.memref_slice %arg6[%dma_start3A, %dma_start3A_35] : memref<96x1024xf32, #tpu.memory_space<vmem>> -> memref<64x1024xf32, #tpu.memory_space<vmem>>
    %dma_start3A_37 = arith.constant 0 : i32
    %dma_start3A_38 = arith.constant 0 : i32
    %dma_start3A_39 = tpu.memref_slice %arg2[%select_n3A, %dma_start3A_37, %dma_start3A_38] : memref<16x64x1024xf32, #tpu.memory_space<hbm>> -> memref<1x64x1024xf32, #tpu.memory_space<hbm>>
    %dma_start3A_40 = tpu.memref_squeeze %dma_start3A_39 : memref<1x64x1024xf32, #tpu.memory_space<hbm>> -> memref<64x1024xf32, #tpu.memory_space<hbm>>
    %dma_start3A_41 = arith.constant 0 : i32
    %dma_start3A_42 = arith.constant 0 : i32
    %dma_start3A_43 = tpu.memref_slice %arg6[%dma_start3A_41, %dma_start3A_42] : memref<96x1024xf32, #tpu.memory_space<vmem>> -> memref<64x1024xf32, #tpu.memory_space<vmem>>
    %dma_start3A_44 = arith.constant 0 : i32
    %dma_start3A_45 = arith.constant 0 : i32
    %dma_start3A_46 = tpu.memref_slice %arg2[%select_n3A, %dma_start3A_44, %dma_start3A_45] : memref<16x64x1024xf32, #tpu.memory_space<hbm>> -> memref<1x64x1024xf32, #tpu.memory_space<hbm>>
    %dma_start3A_47 = tpu.memref_squeeze %dma_start3A_46 : memref<1x64x1024xf32, #tpu.memory_space<hbm>> -> memref<64x1024xf32, #tpu.memory_space<hbm>>
    tpu.enqueue_dma source(%dma_start3A_47 : memref<64x1024xf32, #tpu.memory_space<hbm>>) target(%dma_start3A_43 : memref<64x1024xf32, #tpu.memory_space<vmem>>) target_semaphore(%arg12 : memref<!tpu.dma_semaphore, #tpu.memory_space<semaphore_mem>>)
    %broadcast_in_dim3A = arith.constant 0.000000e+00 : f32
    %broadcast_in_dim3A_48 = vector.broadcast %broadcast_in_dim3A : f32 to vector<16xf32>
    %scan3A = arith.constant 0 : i32
    %scan3A_49 = arith.constant 0 : i32
    %scan3A_50 = arith.constant 32 : i32
    %scan3A_51 = arith.addi %scan3A_49, %scan3A_50 : i32
    %scan3A_52 = arith.constant 1 : i32
    scf.for %scan3A_353 = %scan3A_49 to %scan3A_51 step %scan3A_52  : i32 {
      %add3A_354 = arith.constant 64 : i32
      %add3A_355 = arith.addi %add3A_354, %scan3A_353 : i32
      %swap3A_356 = arith.index_cast %add3A_355 : i32 to index
      %swap3A_357 = arith.constant 0 : index
      %swap3A_358 = tpu.vector_load %arg6[%swap3A_356, %swap3A_357] {strides = array<i32>} : memref<96x1024xf32, #tpu.memory_space<vmem>>, vector<16xf32>,
      tpu.vector_store %arg6[%swap3A_356, %swap3A_357], %broadcast_in_dim3A_48 {strides = array<i32>} : memref<96x1024xf32, #tpu.memory_space<vmem>>, vector<16xf32>,
      %add3A_359 = arith.constant 64 : i32
      %add3A_360 = arith.addi %add3A_359, %scan3A_353 : i32
      %swap3A_361 = arith.index_cast %add3A_360 : i32 to index
      %swap3A_362 = arith.constant 16 : index
      %swap3A_363 = tpu.vector_load %arg6[%swap3A_361, %swap3A_362] {strides = array<i32>} : memref<96x1024xf32, #tpu.memory_space<vmem>>, vector<16xf32>,
      tpu.vector_store %arg6[%swap3A_361, %swap3A_362], %broadcast_in_dim3A_48 {strides = array<i32>} : memref<96x1024xf32, #tpu.memory_space<vmem>>, vector<16xf32>,
      %add3A_364 = arith.constant 64 : i32
      %add3A_365 = arith.addi %add3A_364, %scan3A_353 : i32
      %swap3A_366 = arith.index_cast %add3A_365 : i32 to index
      %swap3A_367 = arith.constant 32 : index
      %swap3A_368 = tpu.vector_load %arg6[%swap3A_366, %swap3A_367] {strides = array<i32>} : memref<96x1024xf32, #tpu.memory_space<vmem>>, vector<16xf32>,
      tpu.vector_store %arg6[%swap3A_366, %swap3A_367], %broadcast_in_dim3A_48 {strides = array<i32>} : memref<96x1024xf32, #tpu.memory_space<vmem>>, vector<16xf32>,
      %add3A_369 = arith.constant 64 : i32
      %add3A_370 = arith.addi %add3A_369, %scan3A_353 : i32
      %swap3A_371 = arith.index_cast %add3A_370 : i32 to index
      %swap3A_372 = arith.constant 48 : index
      %swap3A_373 = tpu.vector_load %arg6[%swap3A_371, %swap3A_372] {strides = array<i32>} : memref<96x1024xf32, #tpu.memory_space<vmem>>, vector<16xf32>,
      tpu.vector_store %arg6[%swap3A_371, %swap3A_372], %broadcast_in_dim3A_48 {strides = array<i32>} : memref<96x1024xf32, #tpu.memory_space<vmem>>, vector<16xf32>,
      %add3A_374 = arith.constant 64 : i32
      %add3A_375 = arith.addi %add3A_374, %scan3A_353 : i32
      %swap3A_376 = arith.index_cast %add3A_375 : i32 to index
      %swap3A_377 = arith.constant 64 : index
      %swap3A_378 = tpu.vector_load %arg6[%swap3A_376, %swap3A_377] {strides = array<i32>} : memref<96x1024xf32, #tpu.memory_space<vmem>>, vector<16xf32>,
      tpu.vector_store %arg6[%swap3A_376, %swap3A_377], %broadcast_in_dim3A_48 {strides = array<i32>} : memref<96x1024xf32, #tpu.memory_space<vmem>>, vector<16xf32>,
      %add3A_379 = arith.constant 64 : i32
      %add3A_380 = arith.addi %add3A_379, %scan3A_353 : i32
      %swap3A_381 = arith.index_cast %add3A_380 : i32 to index
      %swap3A_382 = arith.constant 80 : index
      %swap3A_383 = tpu.vector_load %arg6[%swap3A_381, %swap3A_382] {strides = array<i32>} : memref<96x1024xf32, #tpu.memory_space<vmem>>, vector<16xf32>,
      tpu.vector_store %arg6[%swap3A_381, %swap3A_382], %broadcast_in_dim3A_48 {strides = array<i32>} : memref<96x1024xf32, #tpu.memory_space<vmem>>, vector<16xf32>,
      %add3A_384 = arith.constant 64 : i32
      %add3A_385 = arith.addi %add3A_384, %scan3A_353 : i32
      %swap3A_386 = arith.index_cast %add3A_385 : i32 to index
      %swap3A_387 = arith.constant 96 : index
      %swap3A_388 = tpu.vector_load %arg6[%swap3A_386, %swap3A_387] {strides = array<i32>} : memref<96x1024xf32, #tpu.memory_space<vmem>>, vector<16xf32>,
      tpu.vector_store %arg6[%swap3A_386, %swap3A_387], %broadcast_in_dim3A_48 {strides = array<i32>} : memref<96x1024xf32, #tpu.memory_space<vmem>>, vector<16xf32>,
      %add3A_389 = arith.constant 64 : i32
      %add3A_390 = arith.addi %add3A_389, %scan3A_353 : i32
      %swap3A_391 = arith.index_cast %add3A_390 : i32 to index
      %swap3A_392 = arith.constant 112 : index
      %swap3A_393 = tpu.vector_load %arg6[%swap3A_391, %swap3A_392] {strides = array<i32>} : memref<96x1024xf32, #tpu.memory_space<vmem>>, vector<16xf32>,
      tpu.vector_store %arg6[%swap3A_391, %swap3A_392], %broadcast_in_dim3A_48 {strides = array<i32>} : memref<96x1024xf32, #tpu.memory_space<vmem>>, vector<16xf32>,
      %add3A_394 = arith.constant 64 : i32
      %add3A_395 = arith.addi %add3A_394, %scan3A_353 : i32
      %swap3A_396 = arith.index_cast %add3A_395 : i32 to index
      %swap3A_397 = arith.constant 128 : index
      %swap3A_398 = tpu.vector_load %arg6[%swap3A_396, %swap3A_397] {strides = array<i32>} : memref<96x1024xf32, #tpu.memory_space<vmem>>, vector<16xf32>,
      tpu.vector_store %arg6[%swap3A_396, %swap3A_397], %broadcast_in_dim3A_48 {strides = array<i32>} : memref<96x1024xf32, #tpu.memory_space<vmem>>, vector<16xf32>,
      %add3A_399 = arith.constant 64 : i32
      %add3A_400 = arith.addi %add3A_399, %scan3A_353 : i32
      %swap3A_401 = arith.index_cast %add3A_400 : i32 to index
      %swap3A_402 = arith.constant 144 : index
      %swap3A_403 = tpu.vector_load %arg6[%swap3A_401, %swap3A_402] {strides = array<i32>} : memref<96x1024xf32, #tpu.memory_space<vmem>>, vector<16xf32>,
      tpu.vector_store %arg6[%swap3A_401, %swap3A_402], %broadcast_in_dim3A_48 {strides = array<i32>} : memref<96x1024xf32, #tpu.memory_space<vmem>>, vector<16xf32>,
      %add3A_404 = arith.constant 64 : i32
      %add3A_405 = arith.addi %add3A_404, %scan3A_353 : i32
      %swap3A_406 = arith.index_cast %add3A_405 : i32 to index
      %swap3A_407 = arith.constant 160 : index
      %swap3A_408 = tpu.vector_load %arg6[%swap3A_406, %swap3A_407] {strides = array<i32>} : memref<96x1024xf32, #tpu.memory_space<vmem>>, vector<16xf32>,
      tpu.vector_store %arg6[%swap3A_406, %swap3A_407], %broadcast_in_dim3A_48 {strides = array<i32>} : memref<96x1024xf32, #tpu.memory_space<vmem>>, vector<16xf32>,
      %add3A_409 = arith.constant 64 : i32
      %add3A_410 = arith.addi %add3A_409, %scan3A_353 : i32
      %swap3A_411 = arith.index_cast %add3A_410 : i32 to index
      %swap3A_412 = arith.constant 176 : index
      %swap3A_413 = tpu.vector_load %arg6[%swap3A_411, %swap3A_412] {strides = array<i32>} : memref<96x1024xf32, #tpu.memory_space<vmem>>, vector<16xf32>,
      tpu.vector_store %arg6[%swap3A_411, %swap3A_412], %broadcast_in_dim3A_48 {strides = array<i32>} : memref<96x1024xf32, #tpu.memory_space<vmem>>, vector<16xf32>,
      %add3A_414 = arith.constant 64 : i32
      %add3A_415 = arith.addi %add3A_414, %scan3A_353 : i32
      %swap3A_416 = arith.index_cast %add3A_415 : i32 to index
      %swap3A_417 = arith.constant 192 : index
      %swap3A_418 = tpu.vector_load %arg6[%swap3A_416, %swap3A_417] {strides = array<i32>} : memref<96x1024xf32, #tpu.memory_space<vmem>>, vector<16xf32>,
      tpu.vector_store %arg6[%swap3A_416, %swap3A_417], %broadcast_in_dim3A_48 {strides = array<i32>} : memref<96x1024xf32, #tpu.memory_space<vmem>>, vector<16xf32>,
      %add3A_419 = arith.constant 64 : i32
      %add3A_420 = arith.addi %add3A_419, %scan3A_353 : i32
      %swap3A_421 = arith.index_cast %add3A_420 : i32 to index
      %swap3A_422 = arith.constant 208 : index
      %swap3A_423 = tpu.vector_load %arg6[%swap3A_421, %swap3A_422] {strides = array<i32>} : memref<96x1024xf32, #tpu.memory_space<vmem>>, vector<16xf32>,
      tpu.vector_store %arg6[%swap3A_421, %swap3A_422], %broadcast_in_dim3A_48 {strides = array<i32>} : memref<96x1024xf32, #tpu.memory_space<vmem>>, vector<16xf32>,
      %add3A_424 = arith.constant 64 : i32
      %add3A_425 = arith.addi %add3A_424, %scan3A_353 : i32
      %swap3A_426 = arith.index_cast %add3A_425 : i32 to index
      %swap3A_427 = arith.constant 224 : index
      %swap3A_428 = tpu.vector_load %arg6[%swap3A_426, %swap3A_427] {strides = array<i32>} : memref<96x1024xf32, #tpu.memory_space<vmem>>, vector<16xf32>,
      tpu.vector_store %arg6[%swap3A_426, %swap3A_427], %broadcast_in_dim3A_48 {strides = array<i32>} : memref<96x1024xf32, #tpu.memory_space<vmem>>, vector<16xf32>,
      %add3A_429 = arith.constant 64 : i32
      %add3A_430 = arith.addi %add3A_429, %scan3A_353 : i32
      %swap3A_431 = arith.index_cast %add3A_430 : i32 to index
      %swap3A_432 = arith.constant 240 : index
      %swap3A_433 = tpu.vector_load %arg6[%swap3A_431, %swap3A_432] {strides = array<i32>} : memref<96x1024xf32, #tpu.memory_space<vmem>>, vector<16xf32>,
      tpu.vector_store %arg6[%swap3A_431, %swap3A_432], %broadcast_in_dim3A_48 {strides = array<i32>} : memref<96x1024xf32, #tpu.memory_space<vmem>>, vector<16xf32>,
      %add3A_434 = arith.constant 64 : i32
      %add3A_435 = arith.addi %add3A_434, %scan3A_353 : i32
      %swap3A_436 = arith.index_cast %add3A_435 : i32 to index
      %swap3A_437 = arith.constant 256 : index
      %swap3A_438 = tpu.vector_load %arg6[%swap3A_436, %swap3A_437] {strides = array<i32>} : memref<96x1024xf32, #tpu.memory_space<vmem>>, vector<16xf32>,
      tpu.vector_store %arg6[%swap3A_436, %swap3A_437], %broadcast_in_dim3A_48 {strides = array<i32>} : memref<96x1024xf32, #tpu.memory_space<vmem>>, vector<16xf32>,
      %add3A_439 = arith.constant 64 : i32
      %add3A_440 = arith.addi %add3A_439, %scan3A_353 : i32
      %swap3A_441 = arith.index_cast %add3A_440 : i32 to index
      %swap3A_442 = arith.constant 272 : index
      %swap3A_443 = tpu.vector_load %arg6[%swap3A_441, %swap3A_442] {strides = array<i32>} : memref<96x1024xf32, #tpu.memory_space<vmem>>, vector<16xf32>,
      tpu.vector_store %arg6[%swap3A_441, %swap3A_442], %broadcast_in_dim3A_48 {strides = array<i32>} : memref<96x1024xf32, #tpu.memory_space<vmem>>, vector<16xf32>,
      %add3A_444 = arith.constant 64 : i32
      %add3A_445 = arith.addi %add3A_444, %scan3A_353 : i32
      %swap3A_446 = arith.index_cast %add3A_445 : i32 to index
      %swap3A_447 = arith.constant 288 : index
      %swap3A_448 = tpu.vector_load %arg6[%swap3A_446, %swap3A_447] {strides = array<i32>} : memref<96x1024xf32, #tpu.memory_space<vmem>>, vector<16xf32>,
      tpu.vector_store %arg6[%swap3A_446, %swap3A_447], %broadcast_in_dim3A_48 {strides = array<i32>} : memref<96x1024xf32, #tpu.memory_space<vmem>>, vector<16xf32>,
      %add3A_449 = arith.constant 64 : i32
      %add3A_450 = arith.addi %add3A_449, %scan3A_353 : i32
      %swap3A_451 = arith.index_cast %add3A_450 : i32 to index
      %swap3A_452 = arith.constant 304 : index
      %swap3A_453 = tpu.vector_load %arg6[%swap3A_451, %swap3A_452] {strides = array<i32>} : memref<96x1024xf32, #tpu.memory_space<vmem>>, vector<16xf32>,
      tpu.vector_store %arg6[%swap3A_451, %swap3A_452], %broadcast_in_dim3A_48 {strides = array<i32>} : memref<96x1024xf32, #tpu.memory_space<vmem>>, vector<16xf32>,
      %add3A_454 = arith.constant 64 : i32
      %add3A_455 = arith.addi %add3A_454, %scan3A_353 : i32
      %swap3A_456 = arith.index_cast %add3A_455 : i32 to index
      %swap3A_457 = arith.constant 320 : index
      %swap3A_458 = tpu.vector_load %arg6[%swap3A_456, %swap3A_457] {strides = array<i32>} : memref<96x1024xf32, #tpu.memory_space<vmem>>, vector<16xf32>,
      tpu.vector_store %arg6[%swap3A_456, %swap3A_457], %broadcast_in_dim3A_48 {strides = array<i32>} : memref<96x1024xf32, #tpu.memory_space<vmem>>, vector<16xf32>,
      %add3A_459 = arith.constant 64 : i32
      %add3A_460 = arith.addi %add3A_459, %scan3A_353 : i32
      %swap3A_461 = arith.index_cast %add3A_460 : i32 to index
      %swap3A_462 = arith.constant 336 : index
      %swap3A_463 = tpu.vector_load %arg6[%swap3A_461, %swap3A_462] {strides = array<i32>} : memref<96x1024xf32, #tpu.memory_space<vmem>>, vector<16xf32>,
      tpu.vector_store %arg6[%swap3A_461, %swap3A_462], %broadcast_in_dim3A_48 {strides = array<i32>} : memref<96x1024xf32, #tpu.memory_space<vmem>>, vector<16xf32>,
      %add3A_464 = arith.constant 64 : i32
      %add3A_465 = arith.addi %add3A_464, %scan3A_353 : i32
      %swap3A_466 = arith.index_cast %add3A_465 : i32 to index
      %swap3A_467 = arith.constant 352 : index
      %swap3A_468 = tpu.vector_load %arg6[%swap3A_466, %swap3A_467] {strides = array<i32>} : memref<96x1024xf32, #tpu.memory_space<vmem>>, vector<16xf32>,
      tpu.vector_store %arg6[%swap3A_466, %swap3A_467], %broadcast_in_dim3A_48 {strides = array<i32>} : memref<96x1024xf32, #tpu.memory_space<vmem>>, vector<16xf32>,
      %add3A_469 = arith.constant 64 : i32
      %add3A_470 = arith.addi %add3A_469, %scan3A_353 : i32
      %swap3A_471 = arith.index_cast %add3A_470 : i32 to index
      %swap3A_472 = arith.constant 368 : index
      %swap3A_473 = tpu.vector_load %arg6[%swap3A_471, %swap3A_472] {strides = array<i32>} : memref<96x1024xf32, #tpu.memory_space<vmem>>, vector<16xf32>,
      tpu.vector_store %arg6[%swap3A_471, %swap3A_472], %broadcast_in_dim3A_48 {strides = array<i32>} : memref<96x1024xf32, #tpu.memory_space<vmem>>, vector<16xf32>,
      %add3A_474 = arith.constant 64 : i32
      %add3A_475 = arith.addi %add3A_474, %scan3A_353 : i32
      %swap3A_476 = arith.index_cast %add3A_475 : i32 to index
      %swap3A_477 = arith.constant 384 : index
      %swap3A_478 = tpu.vector_load %arg6[%swap3A_476, %swap3A_477] {strides = array<i32>} : memref<96x1024xf32, #tpu.memory_space<vmem>>, vector<16xf32>,
      tpu.vector_store %arg6[%swap3A_476, %swap3A_477], %broadcast_in_dim3A_48 {strides = array<i32>} : memref<96x1024xf32, #tpu.memory_space<vmem>>, vector<16xf32>,
      %add3A_479 = arith.constant 64 : i32
      %add3A_480 = arith.addi %add3A_479, %scan3A_353 : i32
      %swap3A_481 = arith.index_cast %add3A_480 : i32 to index
      %swap3A_482 = arith.constant 400 : index
      %swap3A_483 = tpu.vector_load %arg6[%swap3A_481, %swap3A_482] {strides = array<i32>} : memref<96x1024xf32, #tpu.memory_space<vmem>>, vector<16xf32>,
      tpu.vector_store %arg6[%swap3A_481, %swap3A_482], %broadcast_in_dim3A_48 {strides = array<i32>} : memref<96x1024xf32, #tpu.memory_space<vmem>>, vector<16xf32>,
      %add3A_484 = arith.constant 64 : i32
      %add3A_485 = arith.addi %add3A_484, %scan3A_353 : i32
      %swap3A_486 = arith.index_cast %add3A_485 : i32 to index
      %swap3A_487 = arith.constant 416 : index
      %swap3A_488 = tpu.vector_load %arg6[%swap3A_486, %swap3A_487] {strides = array<i32>} : memref<96x1024xf32, #tpu.memory_space<vmem>>, vector<16xf32>,
      tpu.vector_store %arg6[%swap3A_486, %swap3A_487], %broadcast_in_dim3A_48 {strides = array<i32>} : memref<96x1024xf32, #tpu.memory_space<vmem>>, vector<16xf32>,
      %add3A_489 = arith.constant 64 : i32
      %add3A_490 = arith.addi %add3A_489, %scan3A_353 : i32
      %swap3A_491 = arith.index_cast %add3A_490 : i32 to index
      %swap3A_492 = arith.constant 432 : index
      %swap3A_493 = tpu.vector_load %arg6[%swap3A_491, %swap3A_492] {strides = array<i32>} : memref<96x1024xf32, #tpu.memory_space<vmem>>, vector<16xf32>,
      tpu.vector_store %arg6[%swap3A_491, %swap3A_492], %broadcast_in_dim3A_48 {strides = array<i32>} : memref<96x1024xf32, #tpu.memory_space<vmem>>, vector<16xf32>,
      %add3A_494 = arith.constant 64 : i32
      %add3A_495 = arith.addi %add3A_494, %scan3A_353 : i32
      %swap3A_496 = arith.index_cast %add3A_495 : i32 to index
      %swap3A_497 = arith.constant 448 : index
      %swap3A_498 = tpu.vector_load %arg6[%swap3A_496, %swap3A_497] {strides = array<i32>} : memref<96x1024xf32, #tpu.memory_space<vmem>>, vector<16xf32>,
      tpu.vector_store %arg6[%swap3A_496, %swap3A_497], %broadcast_in_dim3A_48 {strides = array<i32>} : memref<96x1024xf32, #tpu.memory_space<vmem>>, vector<16xf32>,
      %add3A_499 = arith.constant 64 : i32
      %add3A_500 = arith.addi %add3A_499, %scan3A_353 : i32
      %swap3A_501 = arith.index_cast %add3A_500 : i32 to index
      %swap3A_502 = arith.constant 464 : index
      %swap3A_503 = tpu.vector_load %arg6[%swap3A_501, %swap3A_502] {strides = array<i32>} : memref<96x1024xf32, #tpu.memory_space<vmem>>, vector<16xf32>,
      tpu.vector_store %arg6[%swap3A_501, %swap3A_502], %broadcast_in_dim3A_48 {strides = array<i32>} : memref<96x1024xf32, #tpu.memory_space<vmem>>, vector<16xf32>,
      %add3A_504 = arith.constant 64 : i32
      %add3A_505 = arith.addi %add3A_504, %scan3A_353 : i32
      %swap3A_506 = arith.index_cast %add3A_505 : i32 to index
      %swap3A_507 = arith.constant 480 : index
      %swap3A_508 = tpu.vector_load %arg6[%swap3A_506, %swap3A_507] {strides = array<i32>} : memref<96x1024xf32, #tpu.memory_space<vmem>>, vector<16xf32>,
      tpu.vector_store %arg6[%swap3A_506, %swap3A_507], %broadcast_in_dim3A_48 {strides = array<i32>} : memref<96x1024xf32, #tpu.memory_space<vmem>>, vector<16xf32>,
      %add3A_509 = arith.constant 64 : i32
      %add3A_510 = arith.addi %add3A_509, %scan3A_353 : i32
      %swap3A_511 = arith.index_cast %add3A_510 : i32 to index
      %swap3A_512 = arith.constant 496 : index
      %swap3A_513 = tpu.vector_load %arg6[%swap3A_511, %swap3A_512] {strides = array<i32>} : memref<96x1024xf32, #tpu.memory_space<vmem>>, vector<16xf32>,
      tpu.vector_store %arg6[%swap3A_511, %swap3A_512], %broadcast_in_dim3A_48 {strides = array<i32>} : memref<96x1024xf32, #tpu.memory_space<vmem>>, vector<16xf32>,
      %add3A_514 = arith.constant 64 : i32
      %add3A_515 = arith.addi %add3A_514, %scan3A_353 : i32
      %swap3A_516 = arith.index_cast %add3A_515 : i32 to index
      %swap3A_517 = arith.constant 512 : index
      %swap3A_518 = tpu.vector_load %arg6[%swap3A_516, %swap3A_517] {strides = array<i32>} : memref<96x1024xf32, #tpu.memory_space<vmem>>, vector<16xf32>,
      tpu.vector_store %arg6[%swap3A_516, %swap3A_517], %broadcast_in_dim3A_48 {strides = array<i32>} : memref<96x1024xf32, #tpu.memory_space<vmem>>, vector<16xf32>,
      %add3A_519 = arith.constant 64 : i32
      %add3A_520 = arith.addi %add3A_519, %scan3A_353 : i32
      %swap3A_521 = arith.index_cast %add3A_520 : i32 to index
      %swap3A_522 = arith.constant 528 : index
      %swap3A_523 = tpu.vector_load %arg6[%swap3A_521, %swap3A_522] {strides = array<i32>} : memref<96x1024xf32, #tpu.memory_space<vmem>>, vector<16xf32>,
      tpu.vector_store %arg6[%swap3A_521, %swap3A_522], %broadcast_in_dim3A_48 {strides = array<i32>} : memref<96x1024xf32, #tpu.memory_space<vmem>>, vector<16xf32>,
      %add3A_524 = arith.constant 64 : i32
      %add3A_525 = arith.addi %add3A_524, %scan3A_353 : i32
      %swap3A_526 = arith.index_cast %add3A_525 : i32 to index
      %swap3A_527 = arith.constant 544 : index
      %swap3A_528 = tpu.vector_load %arg6[%swap3A_526, %swap3A_527] {strides = array<i32>} : memref<96x1024xf32, #tpu.memory_space<vmem>>, vector<16xf32>,
      tpu.vector_store %arg6[%swap3A_526, %swap3A_527], %broadcast_in_dim3A_48 {strides = array<i32>} : memref<96x1024xf32, #tpu.memory_space<vmem>>, vector<16xf32>,
      %add3A_529 = arith.constant 64 : i32
      %add3A_530 = arith.addi %add3A_529, %scan3A_353 : i32
      %swap3A_531 = arith.index_cast %add3A_530 : i32 to index
      %swap3A_532 = arith.constant 560 : index
      %swap3A_533 = tpu.vector_load %arg6[%swap3A_531, %swap3A_532] {strides = array<i32>} : memref<96x1024xf32, #tpu.memory_space<vmem>>, vector<16xf32>,
      tpu.vector_store %arg6[%swap3A_531, %swap3A_532], %broadcast_in_dim3A_48 {strides = array<i32>} : memref<96x1024xf32, #tpu.memory_space<vmem>>, vector<16xf32>,
      %add3A_534 = arith.constant 64 : i32
      %add3A_535 = arith.addi %add3A_534, %scan3A_353 : i32
      %swap3A_536 = arith.index_cast %add3A_535 : i32 to index
      %swap3A_537 = arith.constant 576 : index
      %swap3A_538 = tpu.vector_load %arg6[%swap3A_536, %swap3A_537] {strides = array<i32>} : memref<96x1024xf32, #tpu.memory_space<vmem>>, vector<16xf32>,
      tpu.vector_store %arg6[%swap3A_536, %swap3A_537], %broadcast_in_dim3A_48 {strides = array<i32>} : memref<96x1024xf32, #tpu.memory_space<vmem>>, vector<16xf32>,
      %add3A_539 = arith.constant 64 : i32
      %add3A_540 = arith.addi %add3A_539, %scan3A_353 : i32
      %swap3A_541 = arith.index_cast %add3A_540 : i32 to index
      %swap3A_542 = arith.constant 592 : index
      %swap3A_543 = tpu.vector_load %arg6[%swap3A_541, %swap3A_542] {strides = array<i32>} : memref<96x1024xf32, #tpu.memory_space<vmem>>, vector<16xf32>,
      tpu.vector_store %arg6[%swap3A_541, %swap3A_542], %broadcast_in_dim3A_48 {strides = array<i32>} : memref<96x1024xf32, #tpu.memory_space<vmem>>, vector<16xf32>,
      %add3A_544 = arith.constant 64 : i32
      %add3A_545 = arith.addi %add3A_544, %scan3A_353 : i32
      %swap3A_546 = arith.index_cast %add3A_545 : i32 to index
      %swap3A_547 = arith.constant 608 : index
      %swap3A_548 = tpu.vector_load %arg6[%swap3A_546, %swap3A_547] {strides = array<i32>} : memref<96x1024xf32, #tpu.memory_space<vmem>>, vector<16xf32>,
      tpu.vector_store %arg6[%swap3A_546, %swap3A_547], %broadcast_in_dim3A_48 {strides = array<i32>} : memref<96x1024xf32, #tpu.memory_space<vmem>>, vector<16xf32>,
      %add3A_549 = arith.constant 64 : i32
      %add3A_550 = arith.addi %add3A_549, %scan3A_353 : i32
      %swap3A_551 = arith.index_cast %add3A_550 : i32 to index
      %swap3A_552 = arith.constant 624 : index
      %swap3A_553 = tpu.vector_load %arg6[%swap3A_551, %swap3A_552] {strides = array<i32>} : memref<96x1024xf32, #tpu.memory_space<vmem>>, vector<16xf32>,
      tpu.vector_store %arg6[%swap3A_551, %swap3A_552], %broadcast_in_dim3A_48 {strides = array<i32>} : memref<96x1024xf32, #tpu.memory_space<vmem>>, vector<16xf32>,
      %add3A_554 = arith.constant 64 : i32
      %add3A_555 = arith.addi %add3A_554, %scan3A_353 : i32
      %swap3A_556 = arith.index_cast %add3A_555 : i32 to index
      %swap3A_557 = arith.constant 640 : index
      %swap3A_558 = tpu.vector_load %arg6[%swap3A_556, %swap3A_557] {strides = array<i32>} : memref<96x1024xf32, #tpu.memory_space<vmem>>, vector<16xf32>,
      tpu.vector_store %arg6[%swap3A_556, %swap3A_557], %broadcast_in_dim3A_48 {strides = array<i32>} : memref<96x1024xf32, #tpu.memory_space<vmem>>, vector<16xf32>,
      %add3A_559 = arith.constant 64 : i32
      %add3A_560 = arith.addi %add3A_559, %scan3A_353 : i32
      %swap3A_561 = arith.index_cast %add3A_560 : i32 to index
      %swap3A_562 = arith.constant 656 : index
      %swap3A_563 = tpu.vector_load %arg6[%swap3A_561, %swap3A_562] {strides = array<i32>} : memref<96x1024xf32, #tpu.memory_space<vmem>>, vector<16xf32>,
      tpu.vector_store %arg6[%swap3A_561, %swap3A_562], %broadcast_in_dim3A_48 {strides = array<i32>} : memref<96x1024xf32, #tpu.memory_space<vmem>>, vector<16xf32>,
      %add3A_564 = arith.constant 64 : i32
      %add3A_565 = arith.addi %add3A_564, %scan3A_353 : i32
      %swap3A_566 = arith.index_cast %add3A_565 : i32 to index
      %swap3A_567 = arith.constant 672 : index
      %swap3A_568 = tpu.vector_load %arg6[%swap3A_566, %swap3A_567] {strides = array<i32>} : memref<96x1024xf32, #tpu.memory_space<vmem>>, vector<16xf32>,
      tpu.vector_store %arg6[%swap3A_566, %swap3A_567], %broadcast_in_dim3A_48 {strides = array<i32>} : memref<96x1024xf32, #tpu.memory_space<vmem>>, vector<16xf32>,
      %add3A_569 = arith.constant 64 : i32
      %add3A_570 = arith.addi %add3A_569, %scan3A_353 : i32
      %swap3A_571 = arith.index_cast %add3A_570 : i32 to index
      %swap3A_572 = arith.constant 688 : index
      %swap3A_573 = tpu.vector_load %arg6[%swap3A_571, %swap3A_572] {strides = array<i32>} : memref<96x1024xf32, #tpu.memory_space<vmem>>, vector<16xf32>,
      tpu.vector_store %arg6[%swap3A_571, %swap3A_572], %broadcast_in_dim3A_48 {strides = array<i32>} : memref<96x1024xf32, #tpu.memory_space<vmem>>, vector<16xf32>,
      %add3A_574 = arith.constant 64 : i32
      %add3A_575 = arith.addi %add3A_574, %scan3A_353 : i32
      %swap3A_576 = arith.index_cast %add3A_575 : i32 to index
      %swap3A_577 = arith.constant 704 : index
      %swap3A_578 = tpu.vector_load %arg6[%swap3A_576, %swap3A_577] {strides = array<i32>} : memref<96x1024xf32, #tpu.memory_space<vmem>>, vector<16xf32>,
      tpu.vector_store %arg6[%swap3A_576, %swap3A_577], %broadcast_in_dim3A_48 {strides = array<i32>} : memref<96x1024xf32, #tpu.memory_space<vmem>>, vector<16xf32>,
      %add3A_579 = arith.constant 64 : i32
      %add3A_580 = arith.addi %add3A_579, %scan3A_353 : i32
      %swap3A_581 = arith.index_cast %add3A_580 : i32 to index
      %swap3A_582 = arith.constant 720 : index
      %swap3A_583 = tpu.vector_load %arg6[%swap3A_581, %swap3A_582] {strides = array<i32>} : memref<96x1024xf32, #tpu.memory_space<vmem>>, vector<16xf32>,
      tpu.vector_store %arg6[%swap3A_581, %swap3A_582], %broadcast_in_dim3A_48 {strides = array<i32>} : memref<96x1024xf32, #tpu.memory_space<vmem>>, vector<16xf32>,
      %add3A_584 = arith.constant 64 : i32
      %add3A_585 = arith.addi %add3A_584, %scan3A_353 : i32
      %swap3A_586 = arith.index_cast %add3A_585 : i32 to index
      %swap3A_587 = arith.constant 736 : index
      %swap3A_588 = tpu.vector_load %arg6[%swap3A_586, %swap3A_587] {strides = array<i32>} : memref<96x1024xf32, #tpu.memory_space<vmem>>, vector<16xf32>,
      tpu.vector_store %arg6[%swap3A_586, %swap3A_587], %broadcast_in_dim3A_48 {strides = array<i32>} : memref<96x1024xf32, #tpu.memory_space<vmem>>, vector<16xf32>,
      %add3A_589 = arith.constant 64 : i32
      %add3A_590 = arith.addi %add3A_589, %scan3A_353 : i32
      %swap3A_591 = arith.index_cast %add3A_590 : i32 to index
      %swap3A_592 = arith.constant 752 : index
      %swap3A_593 = tpu.vector_load %arg6[%swap3A_591, %swap3A_592] {strides = array<i32>} : memref<96x1024xf32, #tpu.memory_space<vmem>>, vector<16xf32>,
      tpu.vector_store %arg6[%swap3A_591, %swap3A_592], %broadcast_in_dim3A_48 {strides = array<i32>} : memref<96x1024xf32, #tpu.memory_space<vmem>>, vector<16xf32>,
      %add3A_594 = arith.constant 64 : i32
      %add3A_595 = arith.addi %add3A_594, %scan3A_353 : i32
      %swap3A_596 = arith.index_cast %add3A_595 : i32 to index
      %swap3A_597 = arith.constant 768 : index
      %swap3A_598 = tpu.vector_load %arg6[%swap3A_596, %swap3A_597] {strides = array<i32>} : memref<96x1024xf32, #tpu.memory_space<vmem>>, vector<16xf32>,
      tpu.vector_store %arg6[%swap3A_596, %swap3A_597], %broadcast_in_dim3A_48 {strides = array<i32>} : memref<96x1024xf32, #tpu.memory_space<vmem>>, vector<16xf32>,
      %add3A_599 = arith.constant 64 : i32
      %add3A_600 = arith.addi %add3A_599, %scan3A_353 : i32
      %swap3A_601 = arith.index_cast %add3A_600 : i32 to index
      %swap3A_602 = arith.constant 784 : index
      %swap3A_603 = tpu.vector_load %arg6[%swap3A_601, %swap3A_602] {strides = array<i32>} : memref<96x1024xf32, #tpu.memory_space<vmem>>, vector<16xf32>,
      tpu.vector_store %arg6[%swap3A_601, %swap3A_602], %broadcast_in_dim3A_48 {strides = array<i32>} : memref<96x1024xf32, #tpu.memory_space<vmem>>, vector<16xf32>,
      %add3A_604 = arith.constant 64 : i32
      %add3A_605 = arith.addi %add3A_604, %scan3A_353 : i32
      %swap3A_606 = arith.index_cast %add3A_605 : i32 to index
      %swap3A_607 = arith.constant 800 : index
      %swap3A_608 = tpu.vector_load %arg6[%swap3A_606, %swap3A_607] {strides = array<i32>} : memref<96x1024xf32, #tpu.memory_space<vmem>>, vector<16xf32>,
      tpu.vector_store %arg6[%swap3A_606, %swap3A_607], %broadcast_in_dim3A_48 {strides = array<i32>} : memref<96x1024xf32, #tpu.memory_space<vmem>>, vector<16xf32>,
      %add3A_609 = arith.constant 64 : i32
      %add3A_610 = arith.addi %add3A_609, %scan3A_353 : i32
      %swap3A_611 = arith.index_cast %add3A_610 : i32 to index
      %swap3A_612 = arith.constant 816 : index
      %swap3A_613 = tpu.vector_load %arg6[%swap3A_611, %swap3A_612] {strides = array<i32>} : memref<96x1024xf32, #tpu.memory_space<vmem>>, vector<16xf32>,
      tpu.vector_store %arg6[%swap3A_611, %swap3A_612], %broadcast_in_dim3A_48 {strides = array<i32>} : memref<96x1024xf32, #tpu.memory_space<vmem>>, vector<16xf32>,
      %add3A_614 = arith.constant 64 : i32
      %add3A_615 = arith.addi %add3A_614, %scan3A_353 : i32
      %swap3A_616 = arith.index_cast %add3A_615 : i32 to index
      %swap3A_617 = arith.constant 832 : index
      %swap3A_618 = tpu.vector_load %arg6[%swap3A_616, %swap3A_617] {strides = array<i32>} : memref<96x1024xf32, #tpu.memory_space<vmem>>, vector<16xf32>,
      tpu.vector_store %arg6[%swap3A_616, %swap3A_617], %broadcast_in_dim3A_48 {strides = array<i32>} : memref<96x1024xf32, #tpu.memory_space<vmem>>, vector<16xf32>,
      %add3A_619 = arith.constant 64 : i32
      %add3A_620 = arith.addi %add3A_619, %scan3A_353 : i32
      %swap3A_621 = arith.index_cast %add3A_620 : i32 to index
      %swap3A_622 = arith.constant 848 : index
      %swap3A_623 = tpu.vector_load %arg6[%swap3A_621, %swap3A_622] {strides = array<i32>} : memref<96x1024xf32, #tpu.memory_space<vmem>>, vector<16xf32>,
      tpu.vector_store %arg6[%swap3A_621, %swap3A_622], %broadcast_in_dim3A_48 {strides = array<i32>} : memref<96x1024xf32, #tpu.memory_space<vmem>>, vector<16xf32>,
      %add3A_624 = arith.constant 64 : i32
      %add3A_625 = arith.addi %add3A_624, %scan3A_353 : i32
      %swap3A_626 = arith.index_cast %add3A_625 : i32 to index
      %swap3A_627 = arith.constant 864 : index
      %swap3A_628 = tpu.vector_load %arg6[%swap3A_626, %swap3A_627] {strides = array<i32>} : memref<96x1024xf32, #tpu.memory_space<vmem>>, vector<16xf32>,
      tpu.vector_store %arg6[%swap3A_626, %swap3A_627], %broadcast_in_dim3A_48 {strides = array<i32>} : memref<96x1024xf32, #tpu.memory_space<vmem>>, vector<16xf32>,
      %add3A_629 = arith.constant 64 : i32
      %add3A_630 = arith.addi %add3A_629, %scan3A_353 : i32
      %swap3A_631 = arith.index_cast %add3A_630 : i32 to index
      %swap3A_632 = arith.constant 880 : index
      %swap3A_633 = tpu.vector_load %arg6[%swap3A_631, %swap3A_632] {strides = array<i32>} : memref<96x1024xf32, #tpu.memory_space<vmem>>, vector<16xf32>,
      tpu.vector_store %arg6[%swap3A_631, %swap3A_632], %broadcast_in_dim3A_48 {strides = array<i32>} : memref<96x1024xf32, #tpu.memory_space<vmem>>, vector<16xf32>,
      %add3A_634 = arith.constant 64 : i32
      %add3A_635 = arith.addi %add3A_634, %scan3A_353 : i32
      %swap3A_636 = arith.index_cast %add3A_635 : i32 to index
      %swap3A_637 = arith.constant 896 : index
      %swap3A_638 = tpu.vector_load %arg6[%swap3A_636, %swap3A_637] {strides = array<i32>} : memref<96x1024xf32, #tpu.memory_space<vmem>>, vector<16xf32>,
      tpu.vector_store %arg6[%swap3A_636, %swap3A_637], %broadcast_in_dim3A_48 {strides = array<i32>} : memref<96x1024xf32, #tpu.memory_space<vmem>>, vector<16xf32>,
      %add3A_639 = arith.constant 64 : i32
      %add3A_640 = arith.addi %add3A_639, %scan3A_353 : i32
      %swap3A_641 = arith.index_cast %add3A_640 : i32 to index
      %swap3A_642 = arith.constant 912 : index
      %swap3A_643 = tpu.vector_load %arg6[%swap3A_641, %swap3A_642] {strides = array<i32>} : memref<96x1024xf32, #tpu.memory_space<vmem>>, vector<16xf32>,
      tpu.vector_store %arg6[%swap3A_641, %swap3A_642], %broadcast_in_dim3A_48 {strides = array<i32>} : memref<96x1024xf32, #tpu.memory_space<vmem>>, vector<16xf32>,
      %add3A_644 = arith.constant 64 : i32
      %add3A_645 = arith.addi %add3A_644, %scan3A_353 : i32
      %swap3A_646 = arith.index_cast %add3A_645 : i32 to index
      %swap3A_647 = arith.constant 928 : index
      %swap3A_648 = tpu.vector_load %arg6[%swap3A_646, %swap3A_647] {strides = array<i32>} : memref<96x1024xf32, #tpu.memory_space<vmem>>, vector<16xf32>,
      tpu.vector_store %arg6[%swap3A_646, %swap3A_647], %broadcast_in_dim3A_48 {strides = array<i32>} : memref<96x1024xf32, #tpu.memory_space<vmem>>, vector<16xf32>,
      %add3A_649 = arith.constant 64 : i32
      %add3A_650 = arith.addi %add3A_649, %scan3A_353 : i32
      %swap3A_651 = arith.index_cast %add3A_650 : i32 to index
      %swap3A_652 = arith.constant 944 : index
      %swap3A_653 = tpu.vector_load %arg6[%swap3A_651, %swap3A_652] {strides = array<i32>} : memref<96x1024xf32, #tpu.memory_space<vmem>>, vector<16xf32>,
      tpu.vector_store %arg6[%swap3A_651, %swap3A_652], %broadcast_in_dim3A_48 {strides = array<i32>} : memref<96x1024xf32, #tpu.memory_space<vmem>>, vector<16xf32>,
      %add3A_654 = arith.constant 64 : i32
      %add3A_655 = arith.addi %add3A_654, %scan3A_353 : i32
      %swap3A_656 = arith.index_cast %add3A_655 : i32 to index
      %swap3A_657 = arith.constant 960 : index
      %swap3A_658 = tpu.vector_load %arg6[%swap3A_656, %swap3A_657] {strides = array<i32>} : memref<96x1024xf32, #tpu.memory_space<vmem>>, vector<16xf32>,
      tpu.vector_store %arg6[%swap3A_656, %swap3A_657], %broadcast_in_dim3A_48 {strides = array<i32>} : memref<96x1024xf32, #tpu.memory_space<vmem>>, vector<16xf32>,
      %add3A_659 = arith.constant 64 : i32
      %add3A_660 = arith.addi %add3A_659, %scan3A_353 : i32
      %swap3A_661 = arith.index_cast %add3A_660 : i32 to index
      %swap3A_662 = arith.constant 976 : index
      %swap3A_663 = tpu.vector_load %arg6[%swap3A_661, %swap3A_662] {strides = array<i32>} : memref<96x1024xf32, #tpu.memory_space<vmem>>, vector<16xf32>,
      tpu.vector_store %arg6[%swap3A_661, %swap3A_662], %broadcast_in_dim3A_48 {strides = array<i32>} : memref<96x1024xf32, #tpu.memory_space<vmem>>, vector<16xf32>,
      %add3A_664 = arith.constant 64 : i32
      %add3A_665 = arith.addi %add3A_664, %scan3A_353 : i32
      %swap3A_666 = arith.index_cast %add3A_665 : i32 to index
      %swap3A_667 = arith.constant 992 : index
      %swap3A_668 = tpu.vector_load %arg6[%swap3A_666, %swap3A_667] {strides = array<i32>} : memref<96x1024xf32, #tpu.memory_space<vmem>>, vector<16xf32>,
      tpu.vector_store %arg6[%swap3A_666, %swap3A_667], %broadcast_in_dim3A_48 {strides = array<i32>} : memref<96x1024xf32, #tpu.memory_space<vmem>>, vector<16xf32>,
      %add3A_669 = arith.constant 64 : i32
      %add3A_670 = arith.addi %add3A_669, %scan3A_353 : i32
      %swap3A_671 = arith.index_cast %add3A_670 : i32 to index
      %swap3A_672 = arith.constant 1008 : index
      %swap3A_673 = tpu.vector_load %arg6[%swap3A_671, %swap3A_672] {strides = array<i32>} : memref<96x1024xf32, #tpu.memory_space<vmem>>, vector<16xf32>,
      tpu.vector_store %arg6[%swap3A_671, %swap3A_672], %broadcast_in_dim3A_48 {strides = array<i32>} : memref<96x1024xf32, #tpu.memory_space<vmem>>, vector<16xf32>,
    }
    %scan3A_53 = arith.constant 32 : i32
    %get3A = arith.constant 0 : index
    %get3A_54 = tpu.vector_load %arg7[%get3A] {strides = array<i32>} : memref<64xi32, #tpu.memory_space<vmem>>, vector<16xi32>,
    %eq3A_55 = arith.constant 0 : i32
    %eq3A_56 = vector.broadcast %eq3A_55 : i32 to vector<16xi32>
    %eq3A_57 = arith.cmpi eq, %get3A_54, %eq3A_56 : vector<16xi32>
    %convert_element_type3A = arith.extui %eq3A_57 : vector<16xi1> to vector<16xi32>
    %broadcast_in_dim3A_58 = arith.constant true
    %broadcast_in_dim3A_59 = vector.broadcast %broadcast_in_dim3A_58 : i1 to vector<16xi1>
    %masked_cumsum3A = tpu.scan <sum>, %convert_element_type3A masked %broadcast_in_dim3A_59 : vector<16xi32>, vector<16xi1> -> vector<16xi32>
    %add3A_60 = arith.constant 0 : i32
    %add3A_61 = vector.broadcast %add3A_60 : i32 to vector<16xi32>
    %add3A_62 = arith.addi %masked_cumsum3A, %add3A_61 : vector<16xi32>
    %eq3A_63 = arith.constant 0 : i32
    %eq3A_64 = vector.broadcast %eq3A_63 : i32 to vector<16xi32>
    %eq3A_65 = arith.cmpi eq, %add3A_62, %eq3A_64 : vector<16xi32>
    %jit3A_66 = arith.constant 0 : i32
    %broadcast_in_dim3A_67 = vector.broadcast %jit3A_66 : i32 to vector<16xi32>
    %select_n3A_68 = arith.select %eq3A_65, %get3A_54, %broadcast_in_dim3A_67 : vector<16xi1>, vector<16xi32>
    %broadcast_in_dim3A_69 = arith.constant true
    %broadcast_in_dim3A_70 = vector.broadcast %broadcast_in_dim3A_69 : i1 to vector<16xi1>
    %masked_cumsum3A_71 = tpu.scan <sum>, %select_n3A_68 masked %broadcast_in_dim3A_70 : vector<16xi32>, vector<16xi1> -> vector<16xi32>
    %add3A_72 = arith.constant 0 : i32
    %add3A_73 = vector.broadcast %add3A_72 : i32 to vector<16xi32>
    %add3A_74 = arith.addi %masked_cumsum3A_71, %add3A_73 : vector<16xi32>
    %swap3A = arith.constant 0 : index
    %swap3A_75 = tpu.vector_load %arg9[%swap3A] {strides = array<i32>} : memref<64xi32, #tpu.memory_space<vmem>>, vector<16xi32>,
    tpu.vector_store %arg9[%swap3A], %add3A_74 {strides = array<i32>} : memref<64xi32, #tpu.memory_space<vmem>>, vector<16xi32>,
    %reduce_max3A = arith.constant true
    %reduce_max3A_76 = vector.broadcast %reduce_max3A : i1 to vector<16xi1>
    %reduce_max3A_77 = arith.constant -2147483648 : i32
    %reduce_max3A_78 = vector.broadcast %reduce_max3A_77 : i32 to vector<16xi32>
    %reduce_max3A_79 = arith.xori %add3A_62, %reduce_max3A_78 : vector<16xi32>
    %reduce_max3A_80 = tpu.scan <max>, %reduce_max3A_79 masked %reduce_max3A_76 : vector<16xi32>, vector<16xi1> -> vector<16xi32>
    %reduce_max3A_81 = arith.xori %reduce_max3A_80, %reduce_max3A_78 : vector<16xi32>
    %reduce_max3A_82 = vector.extract %reduce_max3A_81[15] : i32 from vector<16xi32>
    %reduce_max3A_83 = arith.constant true
    %reduce_max3A_84 = vector.broadcast %reduce_max3A_83 : i1 to vector<16xi1>
    %reduce_max3A_85 = arith.constant -2147483648 : i32
    %reduce_max3A_86 = vector.broadcast %reduce_max3A_85 : i32 to vector<16xi32>
    %reduce_max3A_87 = arith.xori %add3A_74, %reduce_max3A_86 : vector<16xi32>
    %reduce_max3A_88 = tpu.scan <max>, %reduce_max3A_87 masked %reduce_max3A_84 : vector<16xi32>, vector<16xi1> -> vector<16xi32>
    %reduce_max3A_89 = arith.xori %reduce_max3A_88, %reduce_max3A_86 : vector<16xi32>
    %reduce_max3A_90 = vector.extract %reduce_max3A_89[15] : i32 from vector<16xi32>
    %get3A_91 = arith.constant 16 : index
    %get3A_92 = tpu.vector_load %arg7[%get3A_91] {strides = array<i32>} : memref<64xi32, #tpu.memory_space<vmem>>, vector<16xi32>,
    %eq3A_93 = arith.constant 0 : i32
    %eq3A_94 = vector.broadcast %eq3A_93 : i32 to vector<16xi32>
    %eq3A_95 = arith.cmpi eq, %get3A_92, %eq3A_94 : vector<16xi32>
    %convert_element_type3A_96 = arith.extui %eq3A_95 : vector<16xi1> to vector<16xi32>
    %broadcast_in_dim3A_97 = arith.constant true
    %broadcast_in_dim3A_98 = vector.broadcast %broadcast_in_dim3A_97 : i1 to vector<16xi1>
    %masked_cumsum3A_99 = tpu.scan <sum>, %convert_element_type3A_96 masked %broadcast_in_dim3A_98 : vector<16xi32>, vector<16xi1> -> vector<16xi32>
    %add3A_100 = vector.broadcast %reduce_max3A_82 : i32 to vector<16xi32>
    %add3A_101 = arith.addi %masked_cumsum3A_99, %add3A_100 : vector<16xi32>
    %eq3A_102 = arith.constant 0 : i32
    %eq3A_103 = vector.broadcast %eq3A_102 : i32 to vector<16xi32>
    %eq3A_104 = arith.cmpi eq, %add3A_101, %eq3A_103 : vector<16xi32>
    %jit3A_105 = arith.constant 0 : i32
    %broadcast_in_dim3A_106 = vector.broadcast %jit3A_105 : i32 to vector<16xi32>
    %select_n3A_107 = arith.select %eq3A_104, %get3A_92, %broadcast_in_dim3A_106 : vector<16xi1>, vector<16xi32>
    %broadcast_in_dim3A_108 = arith.constant true
    %broadcast_in_dim3A_109 = vector.broadcast %broadcast_in_dim3A_108 : i1 to vector<16xi1>
    %masked_cumsum3A_110 = tpu.scan <sum>, %select_n3A_107 masked %broadcast_in_dim3A_109 : vector<16xi32>, vector<16xi1> -> vector<16xi32>
    %add3A_111 = vector.broadcast %reduce_max3A_90 : i32 to vector<16xi32>
    %add3A_112 = arith.addi %masked_cumsum3A_110, %add3A_111 : vector<16xi32>
    %swap3A_113 = arith.constant 16 : index
    %swap3A_114 = tpu.vector_load %arg9[%swap3A_113] {strides = array<i32>} : memref<64xi32, #tpu.memory_space<vmem>>, vector<16xi32>,
    tpu.vector_store %arg9[%swap3A_113], %add3A_112 {strides = array<i32>} : memref<64xi32, #tpu.memory_space<vmem>>, vector<16xi32>,
    %reduce_max3A_115 = arith.constant true
    %reduce_max3A_116 = vector.broadcast %reduce_max3A_115 : i1 to vector<16xi1>
    %reduce_max3A_117 = arith.constant -2147483648 : i32
    %reduce_max3A_118 = vector.broadcast %reduce_max3A_117 : i32 to vector<16xi32>
    %reduce_max3A_119 = arith.xori %add3A_101, %reduce_max3A_118 : vector<16xi32>
    %reduce_max3A_120 = tpu.scan <max>, %reduce_max3A_119 masked %reduce_max3A_116 : vector<16xi32>, vector<16xi1> -> vector<16xi32>
    %reduce_max3A_121 = arith.xori %reduce_max3A_120, %reduce_max3A_118 : vector<16xi32>
    %reduce_max3A_122 = vector.extract %reduce_max3A_121[15] : i32 from vector<16xi32>
    %reduce_max3A_123 = arith.constant true
    %reduce_max3A_124 = vector.broadcast %reduce_max3A_123 : i1 to vector<16xi1>
    %reduce_max3A_125 = arith.constant -2147483648 : i32
    %reduce_max3A_126 = vector.broadcast %reduce_max3A_125 : i32 to vector<16xi32>
    %reduce_max3A_127 = arith.xori %add3A_112, %reduce_max3A_126 : vector<16xi32>
    %reduce_max3A_128 = tpu.scan <max>, %reduce_max3A_127 masked %reduce_max3A_124 : vector<16xi32>, vector<16xi1> -> vector<16xi32>
    %reduce_max3A_129 = arith.xori %reduce_max3A_128, %reduce_max3A_126 : vector<16xi32>
    %reduce_max3A_130 = vector.extract %reduce_max3A_129[15] : i32 from vector<16xi32>
    %get3A_131 = arith.constant 32 : index
    %get3A_132 = tpu.vector_load %arg7[%get3A_131] {strides = array<i32>} : memref<64xi32, #tpu.memory_space<vmem>>, vector<16xi32>,
    %eq3A_133 = arith.constant 0 : i32
    %eq3A_134 = vector.broadcast %eq3A_133 : i32 to vector<16xi32>
    %eq3A_135 = arith.cmpi eq, %get3A_132, %eq3A_134 : vector<16xi32>
    %convert_element_type3A_136 = arith.extui %eq3A_135 : vector<16xi1> to vector<16xi32>
    %broadcast_in_dim3A_137 = arith.constant true
    %broadcast_in_dim3A_138 = vector.broadcast %broadcast_in_dim3A_137 : i1 to vector<16xi1>
    %masked_cumsum3A_139 = tpu.scan <sum>, %convert_element_type3A_136 masked %broadcast_in_dim3A_138 : vector<16xi32>, vector<16xi1> -> vector<16xi32>
    %add3A_140 = vector.broadcast %reduce_max3A_122 : i32 to vector<16xi32>
    %add3A_141 = arith.addi %masked_cumsum3A_139, %add3A_140 : vector<16xi32>
    %eq3A_142 = arith.constant 0 : i32
    %eq3A_143 = vector.broadcast %eq3A_142 : i32 to vector<16xi32>
    %eq3A_144 = arith.cmpi eq, %add3A_141, %eq3A_143 : vector<16xi32>
    %jit3A_145 = arith.constant 0 : i32
    %broadcast_in_dim3A_146 = vector.broadcast %jit3A_145 : i32 to vector<16xi32>
    %select_n3A_147 = arith.select %eq3A_144, %get3A_132, %broadcast_in_dim3A_146 : vector<16xi1>, vector<16xi32>
    %broadcast_in_dim3A_148 = arith.constant true
    %broadcast_in_dim3A_149 = vector.broadcast %broadcast_in_dim3A_148 : i1 to vector<16xi1>
    %masked_cumsum3A_150 = tpu.scan <sum>, %select_n3A_147 masked %broadcast_in_dim3A_149 : vector<16xi32>, vector<16xi1> -> vector<16xi32>
    %add3A_151 = vector.broadcast %reduce_max3A_130 : i32 to vector<16xi32>
    %add3A_152 = arith.addi %masked_cumsum3A_150, %add3A_151 : vector<16xi32>
    %swap3A_153 = arith.constant 32 : index
    %swap3A_154 = tpu.vector_load %arg9[%swap3A_153] {strides = array<i32>} : memref<64xi32, #tpu.memory_space<vmem>>, vector<16xi32>,
    tpu.vector_store %arg9[%swap3A_153], %add3A_152 {strides = array<i32>} : memref<64xi32, #tpu.memory_space<vmem>>, vector<16xi32>,
    %reduce_max3A_155 = arith.constant true
    %reduce_max3A_156 = vector.broadcast %reduce_max3A_155 : i1 to vector<16xi1>
    %reduce_max3A_157 = arith.constant -2147483648 : i32
    %reduce_max3A_158 = vector.broadcast %reduce_max3A_157 : i32 to vector<16xi32>
    %reduce_max3A_159 = arith.xori %add3A_141, %reduce_max3A_158 : vector<16xi32>
    %reduce_max3A_160 = tpu.scan <max>, %reduce_max3A_159 masked %reduce_max3A_156 : vector<16xi32>, vector<16xi1> -> vector<16xi32>
    %reduce_max3A_161 = arith.xori %reduce_max3A_160, %reduce_max3A_158 : vector<16xi32>
    %reduce_max3A_162 = vector.extract %reduce_max3A_161[15] : i32 from vector<16xi32>
    %reduce_max3A_163 = arith.constant true
    %reduce_max3A_164 = vector.broadcast %reduce_max3A_163 : i1 to vector<16xi1>
    %reduce_max3A_165 = arith.constant -2147483648 : i32
    %reduce_max3A_166 = vector.broadcast %reduce_max3A_165 : i32 to vector<16xi32>
    %reduce_max3A_167 = arith.xori %add3A_152, %reduce_max3A_166 : vector<16xi32>
    %reduce_max3A_168 = tpu.scan <max>, %reduce_max3A_167 masked %reduce_max3A_164 : vector<16xi32>, vector<16xi1> -> vector<16xi32>
    %reduce_max3A_169 = arith.xori %reduce_max3A_168, %reduce_max3A_166 : vector<16xi32>
    %reduce_max3A_170 = vector.extract %reduce_max3A_169[15] : i32 from vector<16xi32>
    %get3A_171 = arith.constant 48 : index
    %get3A_172 = tpu.vector_load %arg7[%get3A_171] {strides = array<i32>} : memref<64xi32, #tpu.memory_space<vmem>>, vector<16xi32>,
    %eq3A_173 = arith.constant 0 : i32
    %eq3A_174 = vector.broadcast %eq3A_173 : i32 to vector<16xi32>
    %eq3A_175 = arith.cmpi eq, %get3A_172, %eq3A_174 : vector<16xi32>
    %convert_element_type3A_176 = arith.extui %eq3A_175 : vector<16xi1> to vector<16xi32>
    %broadcast_in_dim3A_177 = arith.constant true
    %broadcast_in_dim3A_178 = vector.broadcast %broadcast_in_dim3A_177 : i1 to vector<16xi1>
    %masked_cumsum3A_179 = tpu.scan <sum>, %convert_element_type3A_176 masked %broadcast_in_dim3A_178 : vector<16xi32>, vector<16xi1> -> vector<16xi32>
    %add3A_180 = vector.broadcast %reduce_max3A_162 : i32 to vector<16xi32>
    %add3A_181 = arith.addi %masked_cumsum3A_179, %add3A_180 : vector<16xi32>
    %eq3A_182 = arith.constant 0 : i32
    %eq3A_183 = vector.broadcast %eq3A_182 : i32 to vector<16xi32>
    %eq3A_184 = arith.cmpi eq, %add3A_181, %eq3A_183 : vector<16xi32>
    %jit3A_185 = arith.constant 0 : i32
    %broadcast_in_dim3A_186 = vector.broadcast %jit3A_185 : i32 to vector<16xi32>
    %select_n3A_187 = arith.select %eq3A_184, %get3A_172, %broadcast_in_dim3A_186 : vector<16xi1>, vector<16xi32>
    %broadcast_in_dim3A_188 = arith.constant true
    %broadcast_in_dim3A_189 = vector.broadcast %broadcast_in_dim3A_188 : i1 to vector<16xi1>
    %masked_cumsum3A_190 = tpu.scan <sum>, %select_n3A_187 masked %broadcast_in_dim3A_189 : vector<16xi32>, vector<16xi1> -> vector<16xi32>
    %add3A_191 = vector.broadcast %reduce_max3A_170 : i32 to vector<16xi32>
    %add3A_192 = arith.addi %masked_cumsum3A_190, %add3A_191 : vector<16xi32>
    %swap3A_193 = arith.constant 48 : index
    %swap3A_194 = tpu.vector_load %arg9[%swap3A_193] {strides = array<i32>} : memref<64xi32, #tpu.memory_space<vmem>>, vector<16xi32>,
    tpu.vector_store %arg9[%swap3A_193], %add3A_192 {strides = array<i32>} : memref<64xi32, #tpu.memory_space<vmem>>, vector<16xi32>,
    %reduce_max3A_195 = arith.constant true
    %reduce_max3A_196 = vector.broadcast %reduce_max3A_195 : i1 to vector<16xi1>
    %reduce_max3A_197 = arith.constant -2147483648 : i32
    %reduce_max3A_198 = vector.broadcast %reduce_max3A_197 : i32 to vector<16xi32>
    %reduce_max3A_199 = arith.xori %add3A_181, %reduce_max3A_198 : vector<16xi32>
    %reduce_max3A_200 = tpu.scan <max>, %reduce_max3A_199 masked %reduce_max3A_196 : vector<16xi32>, vector<16xi1> -> vector<16xi32>
    %reduce_max3A_201 = arith.xori %reduce_max3A_200, %reduce_max3A_198 : vector<16xi32>
    %reduce_max3A_202 = vector.extract %reduce_max3A_201[15] : i32 from vector<16xi32>
    %reduce_max3A_203 = arith.constant true
    %reduce_max3A_204 = vector.broadcast %reduce_max3A_203 : i1 to vector<16xi1>
    %reduce_max3A_205 = arith.constant -2147483648 : i32
    %reduce_max3A_206 = vector.broadcast %reduce_max3A_205 : i32 to vector<16xi32>
    %reduce_max3A_207 = arith.xori %add3A_192, %reduce_max3A_206 : vector<16xi32>
    %reduce_max3A_208 = tpu.scan <max>, %reduce_max3A_207 masked %reduce_max3A_204 : vector<16xi32>, vector<16xi1> -> vector<16xi32>
    %reduce_max3A_209 = arith.xori %reduce_max3A_208, %reduce_max3A_206 : vector<16xi32>
    %reduce_max3A_210 = vector.extract %reduce_max3A_209[15] : i32 from vector<16xi32>
    %get3A_211 = arith.constant 0 : index
    %get3A_212 = tpu.vector_load %arg8[%get3A_211] {strides = array<i32>} : memref<16xi32, #tpu.memory_space<vmem>>, vector<16xi32>,
    %iota3A = tpu.iota {dimensions = array<i32: 0>} : vector<16xi32>
    %broadcast_in_dim3A_213 = arith.constant 63 : i32
    %broadcast_in_dim3A_214 = vector.broadcast %broadcast_in_dim3A_213 : i32 to vector<16xi32>
    %gather3A = tpu.vector_load_idx %arg9[%broadcast_in_dim3A_214] : memref<64xi32, #tpu.memory_space<vmem>>[vector<16xi32>], vector<16xi32>,
    %reduce_max3A_215 = arith.constant true
    %reduce_max3A_216 = vector.broadcast %reduce_max3A_215 : i1 to vector<16xi1>
    %reduce_max3A_217 = arith.constant -2147483648 : i32
    %reduce_max3A_218 = vector.broadcast %reduce_max3A_217 : i32 to vector<16xi32>
    %reduce_max3A_219 = arith.xori %get3A_212, %reduce_max3A_218 : vector<16xi32>
    %reduce_max3A_220 = tpu.scan <max>, %reduce_max3A_219 masked %reduce_max3A_216 : vector<16xi32>, vector<16xi1> -> vector<16xi32>
    %reduce_max3A_221 = arith.xori %reduce_max3A_220, %reduce_max3A_218 : vector<16xi32>
    %reduce_max3A_222 = vector.extract %reduce_max3A_221[15] : i32 from vector<16xi32>
    %min3A = arith.minsi %reduce_max3A_210, %reduce_max3A_222 : i32
    %sub3A_223 = arith.subi %min3A, %mul3A_34 : i32
    %jit3A_224 = arith.constant 0 : i32
    %jit3A_225 = arith.constant 1024 : i32
    %max3A = arith.maxsi %jit3A_224, %sub3A_223 : i32
    %min3A_226 = arith.minsi %jit3A_225, %max3A : i32
    %add3A_227 = arith.constant 32 : i32
    %add3A_228 = arith.addi %min3A_226, %add3A_227 : i32
    %sub3A_229 = arith.constant 1 : i32
    %sub3A_230 = arith.subi %add3A_228, %sub3A_229 : i32
    %jit3A_231 = arith.constant 32 : i32
    %div3A_232 = arith.divsi %sub3A_230, %jit3A_231 : i32
    %sign3A_233 = arith.constant 0 : i32
    %sign3A_234 = arith.cmpi sgt, %sub3A_230, %sign3A_233 : i32
    %sign3A_235 = arith.extui %sign3A_234 : i1 to i32
    %sign3A_236 = arith.constant 0 : i32
    %sign3A_237 = arith.cmpi slt, %sub3A_230, %sign3A_236 : i32
    %sign3A_238 = arith.extui %sign3A_237 : i1 to i32
    %sign3A_239 = arith.subi %sign3A_235, %sign3A_238 : i32
    %sign3A_240 = arith.constant 0 : i32
    %sign3A_241 = arith.cmpi sgt, %jit3A_231, %sign3A_240 : i32
    %sign3A_242 = arith.extui %sign3A_241 : i1 to i32
    %sign3A_243 = arith.constant 0 : i32
    %sign3A_244 = arith.cmpi slt, %jit3A_231, %sign3A_243 : i32
    %sign3A_245 = arith.extui %sign3A_244 : i1 to i32
    %sign3A_246 = arith.subi %sign3A_242, %sign3A_245 : i32
    %ne3A_247 = arith.cmpi ne, %sign3A_239, %sign3A_246 : i32
    %rem3A_248 = arith.remsi %sub3A_230, %jit3A_231 : i32
    %ne3A_249 = arith.constant 0 : i32
    %ne3A_250 = arith.cmpi ne, %rem3A_248, %ne3A_249 : i32
    %and3A_251 = arith.andi %ne3A_247, %ne3A_250 : i1
    %sub3A_252 = arith.constant 1 : i32
    %sub3A_253 = arith.subi %div3A_232, %sub3A_252 : i32
    %select_n3A_254 = arith.select %and3A_251, %sub3A_253, %div3A_232 : i32
    %mul3A_255 = arith.constant 32 : i32
    %mul3A_256 = arith.muli %select_n3A_254, %mul3A_255 : i32
    %jit3A_257 = arith.constant 16 : i32
    %div3A_258 = arith.divsi %mul3A_256, %jit3A_257 : i32
    %sign3A_259 = arith.constant 0 : i32
    %sign3A_260 = arith.cmpi sgt, %mul3A_256, %sign3A_259 : i32
    %sign3A_261 = arith.extui %sign3A_260 : i1 to i32
    %sign3A_262 = arith.constant 0 : i32
    %sign3A_263 = arith.cmpi slt, %mul3A_256, %sign3A_262 : i32
    %sign3A_264 = arith.extui %sign3A_263 : i1 to i32
    %sign3A_265 = arith.subi %sign3A_261, %sign3A_264 : i32
    %sign3A_266 = arith.constant 0 : i32
    %sign3A_267 = arith.cmpi sgt, %jit3A_257, %sign3A_266 : i32
    %sign3A_268 = arith.extui %sign3A_267 : i1 to i32
    %sign3A_269 = arith.constant 0 : i32
    %sign3A_270 = arith.cmpi slt, %jit3A_257, %sign3A_269 : i32
    %sign3A_271 = arith.extui %sign3A_270 : i1 to i32
    %sign3A_272 = arith.subi %sign3A_268, %sign3A_271 : i32
    %ne3A_273 = arith.cmpi ne, %sign3A_265, %sign3A_272 : i32
    %rem3A_274 = arith.remsi %mul3A_256, %jit3A_257 : i32
    %ne3A_275 = arith.constant 0 : i32
    %ne3A_276 = arith.cmpi ne, %rem3A_274, %ne3A_275 : i32
    %and3A_277 = arith.andi %ne3A_273, %ne3A_276 : i1
    %sub3A_278 = arith.constant 1 : i32
    %sub3A_279 = arith.subi %div3A_258, %sub3A_278 : i32
    %select_n3A_280 = arith.select %and3A_277, %sub3A_279, %div3A_258 : i32
    %while3A = arith.constant 0 : i32
    %while3A_281 = arith.constant 0 : i32
    %while3A_282 = arith.subi %select_n3A_280, %while3A_281 : i32
    %while3A_283 = arith.addi %while3A_281, %while3A_282 : i32
    %while3A_284 = arith.constant 1 : i32
    %while3A_285 = arith.divsi %while3A_282, %while3A_284 : i32
    %while3A_286 = arith.muli %while3A_285, %while3A_284 : i32
    %while3A_287 = arith.addi %while3A_281, %while3A_286 : i32
    %while3A_288 = arith.constant 1 : i32
    scf.for %while3A_353 = %while3A_281 to %while3A_287 step %while3A_288  : i32 {
      %mul3A_354 = arith.constant 16 : i32
      %mul3A_355 = arith.muli %while3A_353, %mul3A_354 : i32
      %add3A_356 = arith.addi %mul3A_34, %mul3A_355 : i32
      %add3A_357 = vector.broadcast %add3A_356 : i32 to vector<16xi32>
      %add3A_358 = arith.addi %add3A_357, %iota3A : vector<16xi32>
      %broadcast_in_dim3A_359 = arith.constant 0 : i32
      %broadcast_in_dim3A_360 = vector.broadcast %broadcast_in_dim3A_359 : i32 to vector<16xi32>
      %add3A_361 = arith.constant 31 : i32
      %add3A_362 = vector.broadcast %add3A_361 : i32 to vector<16xi32>
      %add3A_363 = arith.addi %broadcast_in_dim3A_360, %add3A_362 : vector<16xi32>
      %gather3A_364 = tpu.vector_load_idx %arg9[%add3A_363] : memref<64xi32, #tpu.memory_space<vmem>>[vector<16xi32>], vector<16xi32>,
      %le3A = arith.cmpi sle, %gather3A_364, %add3A_358 : vector<16xi32>
      %add3A_365 = arith.constant 32 : i32
      %add3A_366 = vector.broadcast %add3A_365 : i32 to vector<16xi32>
      %add3A_367 = arith.addi %broadcast_in_dim3A_360, %add3A_366 : vector<16xi32>
      %select_n3A_368 = arith.select %le3A, %add3A_367, %broadcast_in_dim3A_360 : vector<16xi1>, vector<16xi32>
      %add3A_369 = arith.constant 15 : i32
      %add3A_370 = vector.broadcast %add3A_369 : i32 to vector<16xi32>
      %add3A_371 = arith.addi %select_n3A_368, %add3A_370 : vector<16xi32>
      %gather3A_372 = tpu.vector_load_idx %arg9[%add3A_371] : memref<64xi32, #tpu.memory_space<vmem>>[vector<16xi32>], vector<16xi32>,
      %le3A_373 = arith.cmpi sle, %gather3A_372, %add3A_358 : vector<16xi32>
      %add3A_374 = arith.constant 16 : i32
      %add3A_375 = vector.broadcast %add3A_374 : i32 to vector<16xi32>
      %add3A_376 = arith.addi %select_n3A_368, %add3A_375 : vector<16xi32>
      %select_n3A_377 = arith.select %le3A_373, %add3A_376, %select_n3A_368 : vector<16xi1>, vector<16xi32>
      %add3A_378 = arith.constant 7 : i32
      %add3A_379 = vector.broadcast %add3A_378 : i32 to vector<16xi32>
      %add3A_380 = arith.addi %select_n3A_377, %add3A_379 : vector<16xi32>
      %gather3A_381 = tpu.vector_load_idx %arg9[%add3A_380] : memref<64xi32, #tpu.memory_space<vmem>>[vector<16xi32>], vector<16xi32>,
      %le3A_382 = arith.cmpi sle, %gather3A_381, %add3A_358 : vector<16xi32>
      %add3A_383 = arith.constant 8 : i32
      %add3A_384 = vector.broadcast %add3A_383 : i32 to vector<16xi32>
      %add3A_385 = arith.addi %select_n3A_377, %add3A_384 : vector<16xi32>
      %select_n3A_386 = arith.select %le3A_382, %add3A_385, %select_n3A_377 : vector<16xi1>, vector<16xi32>
      %add3A_387 = arith.constant 3 : i32
      %add3A_388 = vector.broadcast %add3A_387 : i32 to vector<16xi32>
      %add3A_389 = arith.addi %select_n3A_386, %add3A_388 : vector<16xi32>
      %gather3A_390 = tpu.vector_load_idx %arg9[%add3A_389] : memref<64xi32, #tpu.memory_space<vmem>>[vector<16xi32>], vector<16xi32>,
      %le3A_391 = arith.cmpi sle, %gather3A_390, %add3A_358 : vector<16xi32>
      %add3A_392 = arith.constant 4 : i32
      %add3A_393 = vector.broadcast %add3A_392 : i32 to vector<16xi32>
      %add3A_394 = arith.addi %select_n3A_386, %add3A_393 : vector<16xi32>
      %select_n3A_395 = arith.select %le3A_391, %add3A_394, %select_n3A_386 : vector<16xi1>, vector<16xi32>
      %add3A_396 = arith.constant 1 : i32
      %add3A_397 = vector.broadcast %add3A_396 : i32 to vector<16xi32>
      %add3A_398 = arith.addi %select_n3A_395, %add3A_397 : vector<16xi32>
      %gather3A_399 = tpu.vector_load_idx %arg9[%add3A_398] : memref<64xi32, #tpu.memory_space<vmem>>[vector<16xi32>], vector<16xi32>,
      %le3A_400 = arith.cmpi sle, %gather3A_399, %add3A_358 : vector<16xi32>
      %add3A_401 = arith.constant 2 : i32
      %add3A_402 = vector.broadcast %add3A_401 : i32 to vector<16xi32>
      %add3A_403 = arith.addi %select_n3A_395, %add3A_402 : vector<16xi32>
      %select_n3A_404 = arith.select %le3A_400, %add3A_403, %select_n3A_395 : vector<16xi1>, vector<16xi32>
      %add3A_405 = arith.constant 0 : i32
      %add3A_406 = vector.broadcast %add3A_405 : i32 to vector<16xi32>
      %add3A_407 = arith.addi %select_n3A_404, %add3A_406 : vector<16xi32>
      %gather3A_408 = tpu.vector_load_idx %arg9[%add3A_407] : memref<64xi32, #tpu.memory_space<vmem>>[vector<16xi32>], vector<16xi32>,
      %le3A_409 = arith.cmpi sle, %gather3A_408, %add3A_358 : vector<16xi32>
      %add3A_410 = arith.constant 1 : i32
      %add3A_411 = vector.broadcast %add3A_410 : i32 to vector<16xi32>
      %add3A_412 = arith.addi %select_n3A_404, %add3A_411 : vector<16xi32>
      %select_n3A_413 = arith.select %le3A_409, %add3A_412, %select_n3A_404 : vector<16xi1>, vector<16xi32>
      %gt3A = arith.cmpi sgt, %gather3A, %add3A_358 : vector<16xi32>
      %lt3A_414 = arith.cmpi slt, %add3A_358, %get3A_212 : vector<16xi32>
      %and3A_415 = arith.andi %gt3A, %lt3A_414 : vector<16xi1>
      %jit3A_416 = arith.constant 64 : i32
      %broadcast_in_dim3A_417 = vector.broadcast %jit3A_416 : i32 to vector<16xi32>
      %select_n3A_418 = arith.select %and3A_415, %select_n3A_413, %broadcast_in_dim3A_417 : vector<16xi1>, vector<16xi32>
      %mul3A_419 = arith.constant 16 : i32
      %mul3A_420 = arith.muli %while3A_353, %mul3A_419 : i32
      %swap3A_421 = arith.index_cast %mul3A_420 : i32 to index
      %swap3A_422 = tpu.vector_load %arg10[%swap3A_421] {strides = array<i32>} : memref<1024xi32, #tpu.memory_space<vmem>>, vector<16xi32>,
      tpu.vector_store %arg10[%swap3A_421], %select_n3A_418 {strides = array<i32>} : memref<1024xi32, #tpu.memory_space<vmem>>, vector<16xi32>,
    }
    %while3A_289 = arith.constant 1 : i32
    scf.for %while3A_353 = %while3A_287 to %while3A_283 step %while3A_289  : i32 {
      %mul3A_354 = arith.constant 16 : i32
      %mul3A_355 = arith.muli %while3A_353, %mul3A_354 : i32
      %add3A_356 = arith.addi %mul3A_34, %mul3A_355 : i32
      %add3A_357 = vector.broadcast %add3A_356 : i32 to vector<16xi32>
      %add3A_358 = arith.addi %add3A_357, %iota3A : vector<16xi32>
      %broadcast_in_dim3A_359 = arith.constant 0 : i32
      %broadcast_in_dim3A_360 = vector.broadcast %broadcast_in_dim3A_359 : i32 to vector<16xi32>
      %add3A_361 = arith.constant 31 : i32
      %add3A_362 = vector.broadcast %add3A_361 : i32 to vector<16xi32>
      %add3A_363 = arith.addi %broadcast_in_dim3A_360, %add3A_362 : vector<16xi32>
      %gather3A_364 = tpu.vector_load_idx %arg9[%add3A_363] : memref<64xi32, #tpu.memory_space<vmem>>[vector<16xi32>], vector<16xi32>,
      %le3A = arith.cmpi sle, %gather3A_364, %add3A_358 : vector<16xi32>
      %add3A_365 = arith.constant 32 : i32
      %add3A_366 = vector.broadcast %add3A_365 : i32 to vector<16xi32>
      %add3A_367 = arith.addi %broadcast_in_dim3A_360, %add3A_366 : vector<16xi32>
      %select_n3A_368 = arith.select %le3A, %add3A_367, %broadcast_in_dim3A_360 : vector<16xi1>, vector<16xi32>
      %add3A_369 = arith.constant 15 : i32
      %add3A_370 = vector.broadcast %add3A_369 : i32 to vector<16xi32>
      %add3A_371 = arith.addi %select_n3A_368, %add3A_370 : vector<16xi32>
      %gather3A_372 = tpu.vector_load_idx %arg9[%add3A_371] : memref<64xi32, #tpu.memory_space<vmem>>[vector<16xi32>], vector<16xi32>,
      %le3A_373 = arith.cmpi sle, %gather3A_372, %add3A_358 : vector<16xi32>
      %add3A_374 = arith.constant 16 : i32
      %add3A_375 = vector.broadcast %add3A_374 : i32 to vector<16xi32>
      %add3A_376 = arith.addi %select_n3A_368, %add3A_375 : vector<16xi32>
      %select_n3A_377 = arith.select %le3A_373, %add3A_376, %select_n3A_368 : vector<16xi1>, vector<16xi32>
      %add3A_378 = arith.constant 7 : i32
      %add3A_379 = vector.broadcast %add3A_378 : i32 to vector<16xi32>
      %add3A_380 = arith.addi %select_n3A_377, %add3A_379 : vector<16xi32>
      %gather3A_381 = tpu.vector_load_idx %arg9[%add3A_380] : memref<64xi32, #tpu.memory_space<vmem>>[vector<16xi32>], vector<16xi32>,
      %le3A_382 = arith.cmpi sle, %gather3A_381, %add3A_358 : vector<16xi32>
      %add3A_383 = arith.constant 8 : i32
      %add3A_384 = vector.broadcast %add3A_383 : i32 to vector<16xi32>
      %add3A_385 = arith.addi %select_n3A_377, %add3A_384 : vector<16xi32>
      %select_n3A_386 = arith.select %le3A_382, %add3A_385, %select_n3A_377 : vector<16xi1>, vector<16xi32>
      %add3A_387 = arith.constant 3 : i32
      %add3A_388 = vector.broadcast %add3A_387 : i32 to vector<16xi32>
      %add3A_389 = arith.addi %select_n3A_386, %add3A_388 : vector<16xi32>
      %gather3A_390 = tpu.vector_load_idx %arg9[%add3A_389] : memref<64xi32, #tpu.memory_space<vmem>>[vector<16xi32>], vector<16xi32>,
      %le3A_391 = arith.cmpi sle, %gather3A_390, %add3A_358 : vector<16xi32>
      %add3A_392 = arith.constant 4 : i32
      %add3A_393 = vector.broadcast %add3A_392 : i32 to vector<16xi32>
      %add3A_394 = arith.addi %select_n3A_386, %add3A_393 : vector<16xi32>
      %select_n3A_395 = arith.select %le3A_391, %add3A_394, %select_n3A_386 : vector<16xi1>, vector<16xi32>
      %add3A_396 = arith.constant 1 : i32
      %add3A_397 = vector.broadcast %add3A_396 : i32 to vector<16xi32>
      %add3A_398 = arith.addi %select_n3A_395, %add3A_397 : vector<16xi32>
      %gather3A_399 = tpu.vector_load_idx %arg9[%add3A_398] : memref<64xi32, #tpu.memory_space<vmem>>[vector<16xi32>], vector<16xi32>,
      %le3A_400 = arith.cmpi sle, %gather3A_399, %add3A_358 : vector<16xi32>
      %add3A_401 = arith.constant 2 : i32
      %add3A_402 = vector.broadcast %add3A_401 : i32 to vector<16xi32>
      %add3A_403 = arith.addi %select_n3A_395, %add3A_402 : vector<16xi32>
      %select_n3A_404 = arith.select %le3A_400, %add3A_403, %select_n3A_395 : vector<16xi1>, vector<16xi32>
      %add3A_405 = arith.constant 0 : i32
      %add3A_406 = vector.broadcast %add3A_405 : i32 to vector<16xi32>
      %add3A_407 = arith.addi %select_n3A_404, %add3A_406 : vector<16xi32>
      %gather3A_408 = tpu.vector_load_idx %arg9[%add3A_407] : memref<64xi32, #tpu.memory_space<vmem>>[vector<16xi32>], vector<16xi32>,
      %le3A_409 = arith.cmpi sle, %gather3A_408, %add3A_358 : vector<16xi32>
      %add3A_410 = arith.constant 1 : i32
      %add3A_411 = vector.broadcast %add3A_410 : i32 to vector<16xi32>
      %add3A_412 = arith.addi %select_n3A_404, %add3A_411 : vector<16xi32>
      %select_n3A_413 = arith.select %le3A_409, %add3A_412, %select_n3A_404 : vector<16xi1>, vector<16xi32>
      %gt3A = arith.cmpi sgt, %gather3A, %add3A_358 : vector<16xi32>
      %lt3A_414 = arith.cmpi slt, %add3A_358, %get3A_212 : vector<16xi32>
      %and3A_415 = arith.andi %gt3A, %lt3A_414 : vector<16xi1>
      %jit3A_416 = arith.constant 64 : i32
      %broadcast_in_dim3A_417 = vector.broadcast %jit3A_416 : i32 to vector<16xi32>
      %select_n3A_418 = arith.select %and3A_415, %select_n3A_413, %broadcast_in_dim3A_417 : vector<16xi1>, vector<16xi32>
      %mul3A_419 = arith.constant 16 : i32
      %mul3A_420 = arith.muli %while3A_353, %mul3A_419 : i32
      %swap3A_421 = arith.index_cast %mul3A_420 : i32 to index
      %swap3A_422 = tpu.vector_load %arg10[%swap3A_421] {strides = array<i32>} : memref<1024xi32, #tpu.memory_space<vmem>>, vector<16xi32>,
      tpu.vector_store %arg10[%swap3A_421], %select_n3A_418 {strides = array<i32>} : memref<1024xi32, #tpu.memory_space<vmem>>, vector<16xi32>,
    }
    %dma_wait3A = arith.constant 0 : i32
    %dma_wait3A_290 = arith.constant 0 : i32
    %dma_wait3A_291 = tpu.memref_slice %arg6[%dma_wait3A, %dma_wait3A_290] : memref<96x1024xf32, #tpu.memory_space<vmem>> -> memref<64x1024xf32, #tpu.memory_space<vmem>>
    %dma_wait3A_292 = arith.constant 0 : i32
    %dma_wait3A_293 = arith.constant 0 : i32
    %dma_wait3A_294 = tpu.memref_slice %arg2[%select_n3A, %dma_wait3A_292, %dma_wait3A_293] : memref<16x64x1024xf32, #tpu.memory_space<hbm>> -> memref<1x64x1024xf32, #tpu.memory_space<hbm>>
    %dma_wait3A_295 = tpu.memref_squeeze %dma_wait3A_294 : memref<1x64x1024xf32, #tpu.memory_space<hbm>> -> memref<64x1024xf32, #tpu.memory_space<hbm>>
    %dma_wait3A_296 = arith.constant 0 : i32
    %dma_wait3A_297 = arith.constant 0 : i32
    %dma_wait3A_298 = tpu.memref_slice %arg6[%dma_wait3A_296, %dma_wait3A_297] : memref<96x1024xf32, #tpu.memory_space<vmem>> -> memref<64x1024xf32, #tpu.memory_space<vmem>>
    %dma_wait3A_299 = arith.constant 0 : i32
    %dma_wait3A_300 = arith.constant 0 : i32
    %dma_wait3A_301 = tpu.memref_slice %arg2[%select_n3A, %dma_wait3A_299, %dma_wait3A_300] : memref<16x64x1024xf32, #tpu.memory_space<hbm>> -> memref<1x64x1024xf32, #tpu.memory_space<hbm>>
    %dma_wait3A_302 = tpu.memref_squeeze %dma_wait3A_301 : memref<1x64x1024xf32, #tpu.memory_space<hbm>> -> memref<64x1024xf32, #tpu.memory_space<hbm>>
    tpu.wait_dma2 semaphore(%arg12 : memref<!tpu.dma_semaphore, #tpu.memory_space<semaphore_mem>>) src(%dma_wait3A_302 : memref<64x1024xf32, #tpu.memory_space<hbm>>) dst(%dma_wait3A_298 : memref<64x1024xf32, #tpu.memory_space<vmem>>)
    %while3A_303 = arith.constant 0 : i32
    %while3A_304 = arith.constant 0 : i32
    %while3A_305 = arith.subi %mul3A_256, %while3A_304 : i32
    %while3A_306 = arith.addi %while3A_304, %while3A_305 : i32
    %while3A_307 = arith.constant 1 : i32
    %while3A_308 = arith.divsi %while3A_305, %while3A_307 : i32
    %while3A_309 = arith.muli %while3A_308, %while3A_307 : i32
    %while3A_310 = arith.addi %while3A_304, %while3A_309 : i32
    %while3A_311 = arith.constant 1 : i32
    scf.for %while3A_353 = %while3A_304 to %while3A_310 step %while3A_311  : i32 {
      %broadcast_in_dim3A_354 = vector.broadcast %while3A_353 : i32 to vector<16xi32>
      %gather3A_355 = tpu.vector_load_idx %arg10[%broadcast_in_dim3A_354] : memref<1024xi32, #tpu.memory_space<vmem>>[vector<16xi32>], vector<16xi32>,
      %reduce_max3A_356 = arith.constant true
      %reduce_max3A_357 = vector.broadcast %reduce_max3A_356 : i1 to vector<16xi1>
      %reduce_max3A_358 = arith.constant -2147483648 : i32
      %reduce_max3A_359 = vector.broadcast %reduce_max3A_358 : i32 to vector<16xi32>
      %reduce_max3A_360 = arith.xori %gather3A_355, %reduce_max3A_359 : vector<16xi32>
      %reduce_max3A_361 = tpu.scan <max>, %reduce_max3A_360 masked %reduce_max3A_357 : vector<16xi32>, vector<16xi1> -> vector<16xi32>
      %reduce_max3A_362 = arith.xori %reduce_max3A_361, %reduce_max3A_359 : vector<16xi32>
      %reduce_max3A_363 = vector.extract %reduce_max3A_362[15] : i32 from vector<16xi32>
      %add3A_364 = arith.addi %mul3A_32, %while3A_353 : i32
      %dma_start3A_365 = arith.constant 0 : i32
      %dma_start3A_366 = tpu.memref_slice %arg6[%reduce_max3A_363, %dma_start3A_365] : memref<96x1024xf32, #tpu.memory_space<vmem>> -> memref<1x1024xf32, #tpu.memory_space<vmem>>
      %dma_start3A_367 = arith.constant 0 : i32
      %dma_start3A_368 = tpu.memref_slice %arg5[%add3A_364, %dma_start3A_367] : memref<32768x1024xf32, #tpu.memory_space<hbm>> -> memref<1x1024xf32, #tpu.memory_space<hbm>>
      %dma_start3A_369 = arith.constant 0 : i32
      %dma_start3A_370 = tpu.memref_slice %arg5[%add3A_364, %dma_start3A_369] : memref<32768x1024xf32, #tpu.memory_space<hbm>> -> memref<1x1024xf32, #tpu.memory_space<hbm>>
      %dma_start3A_371 = arith.constant 0 : i32
      %dma_start3A_372 = tpu.memref_slice %arg6[%reduce_max3A_363, %dma_start3A_371] : memref<96x1024xf32, #tpu.memory_space<vmem>> -> memref<1x1024xf32, #tpu.memory_space<vmem>>
      tpu.enqueue_dma source(%dma_start3A_372 : memref<1x1024xf32, #tpu.memory_space<vmem>>) target(%dma_start3A_370 : memref<1x1024xf32, #tpu.memory_space<hbm>>) target_semaphore(%arg11 : memref<!tpu.dma_semaphore, #tpu.memory_space<semaphore_mem>>)
    }
    %while3A_312 = arith.constant 1 : i32
    scf.for %while3A_353 = %while3A_310 to %while3A_306 step %while3A_312  : i32 {
      %broadcast_in_dim3A_354 = vector.broadcast %while3A_353 : i32 to vector<16xi32>
      %gather3A_355 = tpu.vector_load_idx %arg10[%broadcast_in_dim3A_354] : memref<1024xi32, #tpu.memory_space<vmem>>[vector<16xi32>], vector<16xi32>,
      %reduce_max3A_356 = arith.constant true
      %reduce_max3A_357 = vector.broadcast %reduce_max3A_356 : i1 to vector<16xi1>
      %reduce_max3A_358 = arith.constant -2147483648 : i32
      %reduce_max3A_359 = vector.broadcast %reduce_max3A_358 : i32 to vector<16xi32>
      %reduce_max3A_360 = arith.xori %gather3A_355, %reduce_max3A_359 : vector<16xi32>
      %reduce_max3A_361 = tpu.scan <max>, %reduce_max3A_360 masked %reduce_max3A_357 : vector<16xi32>, vector<16xi1> -> vector<16xi32>
      %reduce_max3A_362 = arith.xori %reduce_max3A_361, %reduce_max3A_359 : vector<16xi32>
      %reduce_max3A_363 = vector.extract %reduce_max3A_362[15] : i32 from vector<16xi32>
      %add3A_364 = arith.addi %mul3A_32, %while3A_353 : i32
      %dma_start3A_365 = arith.constant 0 : i32
      %dma_start3A_366 = tpu.memref_slice %arg6[%reduce_max3A_363, %dma_start3A_365] : memref<96x1024xf32, #tpu.memory_space<vmem>> -> memref<1x1024xf32, #tpu.memory_space<vmem>>
      %dma_start3A_367 = arith.constant 0 : i32
      %dma_start3A_368 = tpu.memref_slice %arg5[%add3A_364, %dma_start3A_367] : memref<32768x1024xf32, #tpu.memory_space<hbm>> -> memref<1x1024xf32, #tpu.memory_space<hbm>>
      %dma_start3A_369 = arith.constant 0 : i32
      %dma_start3A_370 = tpu.memref_slice %arg5[%add3A_364, %dma_start3A_369] : memref<32768x1024xf32, #tpu.memory_space<hbm>> -> memref<1x1024xf32, #tpu.memory_space<hbm>>
      %dma_start3A_371 = arith.constant 0 : i32
      %dma_start3A_372 = tpu.memref_slice %arg6[%reduce_max3A_363, %dma_start3A_371] : memref<96x1024xf32, #tpu.memory_space<vmem>> -> memref<1x1024xf32, #tpu.memory_space<vmem>>
      tpu.enqueue_dma source(%dma_start3A_372 : memref<1x1024xf32, #tpu.memory_space<vmem>>) target(%dma_start3A_370 : memref<1x1024xf32, #tpu.memory_space<hbm>>) target_semaphore(%arg11 : memref<!tpu.dma_semaphore, #tpu.memory_space<semaphore_mem>>)
    }
    %jit3A_313 = arith.constant 32 : i32
    %div3A_314 = arith.divsi %mul3A_256, %jit3A_313 : i32
    %sign3A_315 = arith.constant 0 : i32
    %sign3A_316 = arith.cmpi sgt, %mul3A_256, %sign3A_315 : i32
    %sign3A_317 = arith.extui %sign3A_316 : i1 to i32
    %sign3A_318 = arith.constant 0 : i32
    %sign3A_319 = arith.cmpi slt, %mul3A_256, %sign3A_318 : i32
    %sign3A_320 = arith.extui %sign3A_319 : i1 to i32
    %sign3A_321 = arith.subi %sign3A_317, %sign3A_320 : i32
    %sign3A_322 = arith.constant 0 : i32
    %sign3A_323 = arith.cmpi sgt, %jit3A_313, %sign3A_322 : i32
    %sign3A_324 = arith.extui %sign3A_323 : i1 to i32
    %sign3A_325 = arith.constant 0 : i32
    %sign3A_326 = arith.cmpi slt, %jit3A_313, %sign3A_325 : i32
    %sign3A_327 = arith.extui %sign3A_326 : i1 to i32
    %sign3A_328 = arith.subi %sign3A_324, %sign3A_327 : i32
    %ne3A_329 = arith.cmpi ne, %sign3A_321, %sign3A_328 : i32
    %rem3A_330 = arith.remsi %mul3A_256, %jit3A_313 : i32
    %ne3A_331 = arith.constant 0 : i32
    %ne3A_332 = arith.cmpi ne, %rem3A_330, %ne3A_331 : i32
    %and3A_333 = arith.andi %ne3A_329, %ne3A_332 : i1
    %sub3A_334 = arith.constant 1 : i32
    %sub3A_335 = arith.subi %div3A_314, %sub3A_334 : i32
    %select_n3A_336 = arith.select %and3A_333, %sub3A_335, %div3A_314 : i32
    %while3A_337 = arith.constant 0 : i32
    %while3A_338 = arith.constant 32 : i32
    %while3A_339 = arith.subi %while3A_338, %select_n3A_336 : i32
    %while3A_340 = arith.addi %select_n3A_336, %while3A_339 : i32
    %while3A_341 = arith.constant 1 : i32
    %while3A_342 = arith.divsi %while3A_339, %while3A_341 : i32
    %while3A_343 = arith.muli %while3A_342, %while3A_341 : i32
    %while3A_344 = arith.addi %select_n3A_336, %while3A_343 : i32
    %while3A_345 = arith.constant 1 : i32
    scf.for %while3A_353 = %select_n3A_336 to %while3A_344 step %while3A_345  : i32 {
      %mul3A_354 = arith.constant 32 : i32
      %mul3A_355 = arith.muli %while3A_353, %mul3A_354 : i32
      %add3A_356 = arith.addi %mul3A_32, %mul3A_355 : i32
      %dma_start3A_357 = arith.constant 64 : i32
      %dma_start3A_358 = arith.constant 0 : i32
      %dma_start3A_359 = tpu.memref_slice %arg6[%dma_start3A_357, %dma_start3A_358] : memref<96x1024xf32, #tpu.memory_space<vmem>> -> memref<32x1024xf32, #tpu.memory_space<vmem>>
      %dma_start3A_360 = arith.constant 0 : i32
      %dma_start3A_361 = tpu.memref_slice %arg5[%add3A_356, %dma_start3A_360] : memref<32768x1024xf32, #tpu.memory_space<hbm>> -> memref<32x1024xf32, #tpu.memory_space<hbm>>
      %dma_start3A_362 = arith.constant 0 : i32
      %dma_start3A_363 = tpu.memref_slice %arg5[%add3A_356, %dma_start3A_362] : memref<32768x1024xf32, #tpu.memory_space<hbm>> -> memref<32x1024xf32, #tpu.memory_space<hbm>>
      %dma_start3A_364 = arith.constant 64 : i32
      %dma_start3A_365 = arith.constant 0 : i32
      %dma_start3A_366 = tpu.memref_slice %arg6[%dma_start3A_364, %dma_start3A_365] : memref<96x1024xf32, #tpu.memory_space<vmem>> -> memref<32x1024xf32, #tpu.memory_space<vmem>>
      tpu.enqueue_dma source(%dma_start3A_366 : memref<32x1024xf32, #tpu.memory_space<vmem>>) target(%dma_start3A_363 : memref<32x1024xf32, #tpu.memory_space<hbm>>) target_semaphore(%arg11 : memref<!tpu.dma_semaphore, #tpu.memory_space<semaphore_mem>>)
    }
    %while3A_346 = arith.constant 1 : i32
    scf.for %while3A_353 = %while3A_344 to %while3A_340 step %while3A_346  : i32 {
      %mul3A_354 = arith.constant 32 : i32
      %mul3A_355 = arith.muli %while3A_353, %mul3A_354 : i32
      %add3A_356 = arith.addi %mul3A_32, %mul3A_355 : i32
      %dma_start3A_357 = arith.constant 64 : i32
      %dma_start3A_358 = arith.constant 0 : i32
      %dma_start3A_359 = tpu.memref_slice %arg6[%dma_start3A_357, %dma_start3A_358] : memref<96x1024xf32, #tpu.memory_space<vmem>> -> memref<32x1024xf32, #tpu.memory_space<vmem>>
      %dma_start3A_360 = arith.constant 0 : i32
      %dma_start3A_361 = tpu.memref_slice %arg5[%add3A_356, %dma_start3A_360] : memref<32768x1024xf32, #tpu.memory_space<hbm>> -> memref<32x1024xf32, #tpu.memory_space<hbm>>
      %dma_start3A_362 = arith.constant 0 : i32
      %dma_start3A_363 = tpu.memref_slice %arg5[%add3A_356, %dma_start3A_362] : memref<32768x1024xf32, #tpu.memory_space<hbm>> -> memref<32x1024xf32, #tpu.memory_space<hbm>>
      %dma_start3A_364 = arith.constant 64 : i32
      %dma_start3A_365 = arith.constant 0 : i32
      %dma_start3A_366 = tpu.memref_slice %arg6[%dma_start3A_364, %dma_start3A_365] : memref<96x1024xf32, #tpu.memory_space<vmem>> -> memref<32x1024xf32, #tpu.memory_space<vmem>>
      tpu.enqueue_dma source(%dma_start3A_366 : memref<32x1024xf32, #tpu.memory_space<vmem>>) target(%dma_start3A_363 : memref<32x1024xf32, #tpu.memory_space<hbm>>) target_semaphore(%arg11 : memref<!tpu.dma_semaphore, #tpu.memory_space<semaphore_mem>>)
    }
    %scan3A_347 = arith.constant 0 : i32
    %scan3A_348 = arith.constant 0 : i32
    %scan3A_349 = arith.constant 32 : i32
    %scan3A_350 = arith.addi %scan3A_348, %scan3A_349 : i32
    %scan3A_351 = arith.constant 1 : i32
    scf.for %scan3A_353 = %scan3A_348 to %scan3A_350 step %scan3A_351  : i32 {
      %dma_wait3A_354 = arith.constant 64 : i32
      %dma_wait3A_355 = arith.constant 0 : i32
      %dma_wait3A_356 = tpu.memref_slice %arg6[%dma_wait3A_354, %dma_wait3A_355] : memref<96x1024xf32, #tpu.memory_space<vmem>> -> memref<32x1024xf32, #tpu.memory_space<vmem>>
      %dma_wait3A_357 = arith.constant 0 : i32
      %dma_wait3A_358 = tpu.memref_slice %arg5[%mul3A_32, %dma_wait3A_357] : memref<32768x1024xf32, #tpu.memory_space<hbm>> -> memref<32x1024xf32, #tpu.memory_space<hbm>>
      %dma_wait3A_359 = arith.constant 0 : i32
      %dma_wait3A_360 = tpu.memref_slice %arg5[%mul3A_32, %dma_wait3A_359] : memref<32768x1024xf32, #tpu.memory_space<hbm>> -> memref<32x1024xf32, #tpu.memory_space<hbm>>
      %dma_wait3A_361 = arith.constant 64 : i32
      %dma_wait3A_362 = arith.constant 0 : i32
      %dma_wait3A_363 = tpu.memref_slice %arg6[%dma_wait3A_361, %dma_wait3A_362] : memref<96x1024xf32, #tpu.memory_space<vmem>> -> memref<32x1024xf32, #tpu.memory_space<vmem>>
      tpu.wait_dma2 semaphore(%arg11 : memref<!tpu.dma_semaphore, #tpu.memory_space<semaphore_mem>>) src(%dma_wait3A_363 : memref<32x1024xf32, #tpu.memory_space<vmem>>) dst(%dma_wait3A_360 : memref<32x1024xf32, #tpu.memory_space<hbm>>)
    }
    %scan3A_352 = arith.constant 32 : i32
    return
  }
}

</mosaic_0001>

<sc_bundles>
// kernel: kernel.3.cloned.1.call-start
scs
__scs_entry_jumppad:
0x0: {  	(pc) =	sbr.rel $0x88, $3  }
0x1: {  	(tag) =	ssettag $0x0;
	lr =	simm.s32 $0x1  }
0x2: {  	[smem:$0x3F9E] =	sst lr;
	_ =	strace $0xD0000000  }
0x3: {  	_ = 	snop  }
0x4: {  	_ = 	snop  }
0x5: {  	_ = 	snop  }
0x6: {  	_ = 	snop  }
0x7: {  	_ = 	snop  }
__scs_overlays_trampoline_lowered:
0x8: {  	[smem:$0x3FAD] =	sst s0  }
0x9: {  	[smem:$0x3FAE] =	sst s1  }
0xa: {  	[smem:$0x3FAF] =	sst s2  }
0xb: {  	[smem:$0x3FB0] =	sst s3  }
0xc: {  	[smem:$0x3FB1] =	sst s4  }
0xd: {  	[smem:$0x3FB2] =	sst s5  }
0xe: {  	[smem:$0x3FB3] =	sst s6  }
0xf: {  	[smem:$0x3FB4] =	sst s7  }
0x10: {  	[smem:$0x3FB5] =	sst s8  }
0x11: {  	[smem:$0x3FB6] =	sst s9;
	s0 =	simm.s32 @!p0 $0x0  }
0x12: {  	s1 =	sld [smem:$0x3F9C];
	s0 =	simm.s32 @p0 $0x1  }
0x13: {  	[smem:$0x3FB7] =	sst s0;
	s0 =	simm.s32 @!p1 $0x0  }
0x14: {  	s2 =	sld [smem:$0x3F9B];
	s0 =	simm.s32 @p1 $0x1  }
0x15: {  	[smem:$0x3FB8] =	sst s0;
	s0 =	simm.s32 @!p2 $0x0  }
0x16: {  	s3 =	sld [smem:$0x3FDB];
	s0 =	simm.s32 @p2 $0x1  }
0x17: {  	s4 =	simm.s32 $0x1BF5;
	[smem:$0x3FBA] =	sst s0  }
0x18: {  	s0 =	sld [smem:$0x3F9D];
	_ =	swait.ge [sflag:s4], $0x0  }
0x19: {  	s7 =	sld [smem:$0x3F9E]  }
0x1a: {  	s8 =	sadd.s32 $0xFFFFE003, lr  }
0x1b: {  	s9 =	sadd.s32 $0xFFFFFEF7, lr;
	s5 =	simm.s32 $0xFFFFFFFF;
	p2 =	slt.u32 s8, $0xFFFFF086  }
0x1c: {  	p1 =	slt.u32 s9, $0xF7A;
	s5 =	simm.s32 @!p2 $0x0  }
0x1d: {  	s5 =	simm.s32 @p1 $0x1;
	p0 =	seq.s32 s7, s2  }
0x1e: {  	s7 =	smul.u32 @!p0 $0xF7A, s2;
	p2 =	seq.s32 @!p0 s5, $0x0  }
0x1f: {  	s9 =	smul.u32 $0xF7A, s1;
	s8 =	simm.s32 @!p0 $0x1BF5;
	p2 =	por !p2, p0  }
0x20: {  	[sflag:s8] =	ssyncset.s32 @!p0 $0xFFFFF086;
	s6 =	sadd.s32 @!p0 s3, s7;
	s7 =	simm.s32 @!p0 $0x108  }
0x21: {  	s3 =	sadd.s32 s3, s9;
	s6 =	sadd.s32 @!p0 $0x88, s6;
	s7 =	simm.s32 @p2 $0x1082  }
0x22: {  	[simem:s7], [sflag:s8] =	dma.local @!p0 [hbm:s6], $0xF7A  }
0x23: {  	s9 =	sor.u32 $0xD0000000, s2;
	s6 =	simm.s32 $0x108;
	_ =	swait.ge @!p0 [sflag:s8], $0x0  }
0x24: {  	s3 =	sadd.s32 $0x88, s3;
	s6 =	simm.s32 @!p1 $0x1082;
	[sflag:s4] =	ssyncset.s32 $0xFFFFF086  }
0x25: {  	[simem:s6], [sflag:s4] =	dma.local [hbm:s3], $0xF7A  }
0x26: {  	[smem:$0x3F9E] =	sst s1;
	(tag) =	ssettag s2;
	_ =	strace s9  }
0x27: {  	s1 =	sld [smem:$0x3FAE]  }
0x28: {  	s2 =	sld [smem:$0x3FAF]  }
0x29: {  	s4 =	sld [smem:$0x3FB1]  }
0x2a: {  	p0 =	seq.s32 s5, $0x0;
	s5 =	sld [smem:$0x3FB2]  }
0x2b: {  	s6 =	sld [smem:$0x3FB3]  }
0x2c: {  	s7 =	sld [smem:$0x3FB4]  }
0x2d: {  	s3 =	simm.s32 $0x108;
	s8 =	sld [smem:$0x3FB5]  }
0x2e: {  	s3 =	simm.s32 @!p0 $0x1082;
	s9 =	sld [smem:$0x3FB6]  }
0x2f: {  	lr =	sadd.s32 s0, s3;
	s0 =	sld [smem:$0x3FAD]  }
0x30: {  	s3 =	sld [smem:$0x3FB0]  }
0x31: {  	[smem:$0x3FB9] =	sst s10  }
0x32: {  	s10 =	sld [smem:$0x3FB7];
	_ =	sdelay $0x3  }
0x33: {  	p0 =	seq.s32 s10, $0x1;
	s10 =	sld [smem:$0x3FB9];
	_ =	sdelay $0x3  }
0x34: {  	[smem:$0x3FB9] =	sst s10  }
0x35: {  	s10 =	sld [smem:$0x3FB8];
	_ =	sdelay $0x3  }
0x36: {  	p1 =	seq.s32 s10, $0x1;
	s10 =	sld [smem:$0x3FB9];
	_ =	sdelay $0x3  }
0x37: {  	[smem:$0x3FB9] =	sst s10  }
0x38: {  	s10 =	sld [smem:$0x3FBA]  }
0x39: {  	_ = 	snop;
	(pc) =	sbr.ind lr, $3  }
0x3a: {  	_ = 	snop  }
0x3b: {  	_ = 	snop  }
0x3c: {  	p2 =	seq.s32 s10, $0x1;
	s10 =	sld [smem:$0x3FB9]  }
0x3d: {  	_ =	shalt  }
0x3e: {  	_ =	shalt  }
0x3f: {  	_ =	shalt  }
0x40: {  	_ =	shalt  }
0x41: {  	_ =	shalt  }
0x42: {  	_ =	shalt  }
0x43: {  	_ =	shalt  }
0x44: {  	_ =	shalt  }
0x45: {  	_ =	shalt  }
0x46: {  	_ =	shalt  }
0x47: {  	_ =	shalt  }
0x48: {  	_ =	shalt  }
0x49: {  	_ =	shalt  }
0x4a: {  	_ =	shalt  }
0x4b: {  	_ =	shalt  }
0x4c: {  	_ =	shalt  }
0x4d: {  	_ =	shalt  }
0x4e: {  	_ =	shalt  }
0x4f: {  	_ =	shalt  }
0x50: {  	_ =	shalt  }
0x51: {  	_ =	shalt  }
0x52: {  	_ =	shalt  }
0x53: {  	_ =	shalt  }
0x54: {  	_ =	shalt  }
0x55: {  	_ =	shalt  }
0x56: {  	_ =	shalt  }
0x57: {  	_ =	shalt  }
0x58: {  	_ =	shalt  }
0x59: {  	_ =	shalt  }
0x5a: {  	_ =	shalt  }
0x5b: {  	_ =	shalt  }
0x5c: {  	_ =	shalt  }
0x5d: {  	_ =	shalt  }
0x5e: {  	_ =	shalt  }
0x5f: {  	_ =	shalt  }
0x60: {  	_ =	shalt  }
0x61: {  	_ =	shalt  }
0x62: {  	_ =	shalt  }
0x63: {  	_ =	shalt  }
0x64: {  	_ =	shalt  }
0x65: {  	_ =	shalt  }
0x66: {  	_ =	shalt  }
0x67: {  	_ =	shalt  }
0x68: {  	_ =	shalt  }
0x69: {  	_ =	shalt  }
0x6a: {  	_ =	shalt  }
0x6b: {  	_ =	shalt  }
0x6c: {  	_ =	shalt  }
0x6d: {  	_ =	shalt  }
0x6e: {  	_ =	shalt  }
0x6f: {  	_ =	shalt  }
0x70: {  	_ =	shalt  }
0x71: {  	_ =	shalt  }
0x72: {  	_ =	shalt  }
0x73: {  	_ =	shalt  }
0x74: {  	_ =	shalt  }
0x75: {  	_ =	shalt  }
0x76: {  	_ =	shalt  }
0x77: {  	_ =	shalt  }
0x78: {  	_ =	shalt  }
0x79: {  	_ =	shalt  }
0x7a: {  	_ =	shalt  }
0x7b: {  	_ =	shalt  }
0x7c: {  	_ =	shalt  }
0x7d: {  	_ =	shalt  }
0x7e: {  	_ =	shalt  }
0x7f: {  	_ =	shalt  }
0x80: {  	_ =	shalt  }
0x81: {  	_ =	shalt  }
0x82: {  	_ =	shalt  }
0x83: {  	_ =	shalt  }
0x84: {  	_ =	shalt  }
0x85: {  	_ =	shalt  }
0x86: {  	_ =	shalt  }
0x87: {  	_ =	shalt  }
.Lfunc_end0:
.L_simem_size_0:
called_computation_lowered:
.L_overlay_start_0:
0x88: {  	s2 =	sld [smem:$0x3FD9]  }
0x89: {  	s3 =	sld [smem:$0x3FFE];
	_ =	sdelay $0x1  }
0x8a: {  	s1 =	srdreg.scid  }
0x8b: {  	s0 =	sand.u32 $0x1, s1  }
0x8c: {  	s17 =	sshll.u32 s0, $0xA;
	s2 =	sadd.s32 s3, s2  }
0x8d: {  	s2 =	sadd.s32 s2, s17  }
0x8e: {  	[smem:$0x3FC5] =	sst s2  }
0x8f: {  	_ = 	snop  }
0x90: {  	s2 =	sld [smem:$0x3FC9]  }
0x91: {  	s18 =	sld [smem:$0x3FC7]  }
0x92: {  	s4 =	sld [smem:$0x3FD0];
	(tm) =	ssettm $0x1  }
0x93: {  	s5 =	sld [smem:$0x3FFB];
	_ =	sdelay $0x3  }
0x94: {  	_ =	strace s5  }
0x95: {  	s5 =	sld [smem:$0x3FFC];
	_ =	sdelay $0x3  }
0x96: {  	_ =	strace s5  }
0x97: {  	s5 =	sld [smem:$0x3FFD];
	_ =	sdelay $0x3  }
0x98: {  	_ =	strace s5  }
0x99: {  	_ =	strace $0x8FFFFFFF  }
0x9a: {  	s19 =	sld [smem:$0x3FDB];
	_ =	sdelay $0x1  }
0x9b: {  	s6 =	simm.s32 $_scs_section_size  }
0x9c: {  	s7 =	simm.s32 $_size__tile_overlayer_lowered;
	s8 =	simm.s32 $_tile_overlayer_lowered  }
0x9d: {  	s22 =	simm.s32 $0x1BFF;
	s21 =	sshll.u32 s8, $0x1;
	s5 =	sadd.s32 s6, s19  }
0x9e: {  	s9 =	simm.s32 $0x0;
	s20 =	sshll.u32 s7, $0x1;
	s7 =	sadd.s32 s21, s5  }
0x9f: {  	[timem:s9], [sflag:s22] =	dma.local [hbm:s7], s20  }
0xa0: {  	_ =	swait.ge [sflag:s22], s20  }
0xa1: {  	s6 =	ssub.s32 $0x0, s20;
	[sflag:s22] =	ssyncset.done $0x0  }
0xa2: {  	[sflag:s22] =	ssyncadd.s32 s6;
	_ =	sdelay $0x1  }
0xa3: {  	s23 =	simm.s32 $0x1B8B  }
0xa4: {  	_ =	swait.ge [sflag:s23], $0x1  }
0xa5: {  	[sflag:s23] =	ssyncset.done $0x0  }
0xa6: {  	s25 =	simm.s32 $0x1B8E;
	s24 =	sld [smem:$0x3FFE];
	[sflag:s23] =	ssyncadd.s32 $0xFFFFFFFF  }
0xa7: {  	s26 =	simm.s32 $execute0_lowered;
	[smem:$0x3FD2] =	sst s25  }
0xa8: {  	s7 =	sshll.u32 s26, $0x1;
	_ =	strace $0x80000046;
	[dreg:$0x1] =	wrdreg $0xFFFFFFFF  }
0xa9: {  	s28 =	simm.s32 $_size_execute0_lowered;
	s5 =	sadd.s32 s5, s7;
	[dreg:$0x0] =	wrdreg $0x0  }
0xaa: {  	s7 =	sshll.u32 s28, $0x1;
	[dreg:$0x2] =	wrdreg s5  }
0xab: {  	[dreg:$0x3] =	wrdreg s7  }
0xac: {  	[dreg:$0x4] =	wrdreg $0xC0  }
0xad: {  	_ =	task [dreg:s9], $0x5FFFF  }
0xae: {  	[dreg:$0x1] =	wrdreg $0xFFFFFFFF  }
0xaf: {  	[dreg:$0x0] =	wrdreg $0x60  }
0xb0: {  	[dreg:$0x2] =	wrdreg s2  }
0xb1: {  	[dreg:$0x3] =	wrdreg s18  }
0xb2: {  	[dreg:$0x4] =	wrdreg s24  }
0xb3: {  	[dreg:$0x5] =	wrdreg s4  }
0xb4: {  	[dreg:$0x6] =	wrdreg $0x9  }
0xb5: {  	_ =	task.clear_ibuf [dreg:s9], $0x7FFFF;
	_ =	strace $0x90000046  }
0xb6: {  	s29 =	simm.s32 $0x9;
	_ =	strace $0x80000048  }
0xb7: {  	_ =	swait.ge [sflag:s29], $0x1  }
0xb8: {  	[sflag:s29] =	ssyncadd.s32 $0xFFFFFFFF  }
0xb9: {  	_ =	strace $0x90000048  }
0xba: {  	_ =	sfence  }
0xbb: {  	s30 =	sld [smem:$0x0];
	_ =	sdelay $0x2  }
0xbc: {  	s31 =	sshll.u32 s1, $0xD;
	s1 =	sshrl.u32 s1, $0x2  }
0xbd: {  	s3 =	sand.u32 $0x4000, s31;
	s1 =	sadd.s32 s1, s30  }
0xbe: {  	s0 =	sor.u32 s3, s0;
	s1 =	sshll.u32 s1, $0x11  }
0xbf: {  	s0 =	sor.u32 s1, s0  }
0xc0: {  	s0 =	sadd.s32 $0x8F2B, s0  }
0xc1: {  	[sflag:s0] =	ssyncadd.remote.s32 $0x1  }
0xc2: {  	_ =	sfence.sel $0xFFFF  }
0xc3: {  	[dreg:$0x0] =	wrdreg $0xFFFFFFFF;
	(pc) =	sbr.abs _section_cstart, $3  }
0xc4: {  	[dreg:$0x1] =	wrdreg $0xFFFFFFFF  }
0xc5: {  	_ =	task.clear_ibuf [dreg:s9], $0x2FFFF;
	_ =	strace $0x9FFFFFFF  }
0xc6: {  	(tm) =	ssettm $0x7FFFFFFF  }
0xc7: {  	_ =	shalt  }
tec
execute0_lowered:
.L_overlay_start_1:
0x0: {  	(tag) =	ssettag $0x1  }
0x1: {  	s8 =	rddreg [dreg:$0x0]  }
0x2: {  	s7 =	rddreg [dreg:$0x1]  }
0x3: {  	s4 =	rddreg [dreg:$0x2];
	s1 =	srdreg.scid  }
0x4: {  	s0 =	stileid.u32;
	s2 =	rddreg [dreg:$0x3];
	s6 =	simm.s32 $0x1  }
0x5: {  	s14 =	simm.s32 $0x18080;
	s15 =	simm.s32 $0x18100;
	s16 =	simm.s32 $0x2  }
0x6: {  	s17 =	simm.s32 $0x10000;
	s18 =	simm.s32 $0x18180;
	s19 =	simm.s32 $0x0  }
0x7: {  	s11 =	sand.u32 $0x1, s1;
	s3 =	sshll.u32 s0, $0x1;
	s1 =	rddreg [dreg:$0x4]  }
0x8: {  	s4 =	sadd.s32 $0x400, s4;
	s29 =	sshll.u32 s0, $0x15;
	s13 =	sshll.u32 s0, $0x12  }
0x9: {  	s5 =	sor.u32 s11, s3;
	s3 =	simm.s32 $0x0;
	p1 =	seq.s32 s11, $0x1  }
0xa: {  	s28 =	ssub.s32 $0x2, s11;
	s30 =	sshll.u32 s11, $0x14;
	p0 =	seq.s32 s5, $0x0  }
0xb: {  	s31 =	sadd.s32 s13, s2;
	s13 =	simm.s32 $0x3;
	p0 =	por !p0, !p1  }
0xc: {  	[smem:$0x7FF] =	sst s3;
	s9 =	sshrl.u32 s28, $0x1;
	p0 =	por !p0, !p0  }
0xd: {  	s5 =	simm.s32 $0x1;
	_ =	strace $0x80000047;
	s6 =	simm.s32 @!p0 $0x0  }
.Ltmp0:
0xe: {  	v4 =	vimm.s32 $0x1F;
	s9 =	ssub.s32 s28, s9;
	s6 =	ssub.s32 s0, s6;
	(pc) =	sbr.rel .LBB2_1-.Ltmp0, $4  }
0xf: {  	s9 =	smax.u32 s9, $0x1;
	s10 =	sshll.u32 s6, $0x4;
	s12 =	sshll.u32 s6, $0xD  }
0x10: {  	s6 =	sshll.u32 s11, $0xA;
	s11 =	sshll.u32 s11, $0x11;
	s10 =	sand.u32 $0x1FFFFFF0, s10  }
0x11: {  	v0 =	vimm.f32 $0.0e+00;
	v1 =	vimm.s32 $0x0;
	s12 =	sand.u32 $0x1FFFE000, s12;
	s11 =	sadd.s32 s11, s31;
	s7 =	sadd.s32 s7, s10  }
0x12: {  	v2 =	vimm.s32 $0x3F;
	v3 =	vlaneseq.u32;
	v5 =	vimm.s32 $0x20;
	s8 =	sadd.s32 s8, s12;
	s10 =	sor.u32 s30, s29;
	s12 =	simm.s32 $0x18000  }
.LBB2_12:
0x13: {  	_ =	swait.ge [sflag:s5], $0x8000  }
0x14: {  	[sflag:s5] =	ssyncset.done $0x0  }
0x15: {  	[sflag:s5] =	ssyncadd.s32 $0xFFFF8000  }
0x16: {  	_ =	swait.ge [sflag:s5], $0x8000  }
0x17: {  	[sflag:s5] =	ssyncset.done $0x0  }
0x18: {  	[sflag:s5] =	ssyncadd.s32 $0xFFFF8000  }
0x19: {  	_ =	swait.ge [sflag:s5], $0x8000  }
0x1a: {  	[sflag:s5] =	ssyncset.done $0x0  }
0x1b: {  	[sflag:s5] =	ssyncadd.s32 $0xFFFF8000  }
0x1c: {  	_ =	swait.ge [sflag:s5], $0x8000  }
0x1d: {  	[sflag:s5] =	ssyncset.done $0x0  }
0x1e: {  	[sflag:s5] =	ssyncadd.s32 $0xFFFF8000  }
0x1f: {  	_ =	swait.ge [sflag:s5], $0x8000  }
0x20: {  	[sflag:s5] =	ssyncset.done $0x0  }
0x21: {  	[sflag:s5] =	ssyncadd.s32 $0xFFFF8000  }
0x22: {  	_ =	swait.ge [sflag:s5], $0x8000  }
0x23: {  	[sflag:s5] =	ssyncset.done $0x0  }
0x24: {  	[sflag:s5] =	ssyncadd.s32 $0xFFFF8000  }
0x25: {  	_ =	swait.ge [sflag:s5], $0x8000  }
0x26: {  	[sflag:s5] =	ssyncset.done $0x0  }
0x27: {  	[sflag:s5] =	ssyncadd.s32 $0xFFFF8000  }
0x28: {  	_ =	swait.ge [sflag:s5], $0x8000  }
0x29: {  	[sflag:s5] =	ssyncset.done $0x0  }
0x2a: {  	[sflag:s5] =	ssyncadd.s32 $0xFFFF8000  }
0x2b: {  	_ =	swait.ge [sflag:s5], $0x8000  }
0x2c: {  	[sflag:s5] =	ssyncset.done $0x0  }
0x2d: {  	[sflag:s5] =	ssyncadd.s32 $0xFFFF8000  }
0x2e: {  	_ =	swait.ge [sflag:s5], $0x8000  }
0x2f: {  	[sflag:s5] =	ssyncset.done $0x0  }
0x30: {  	[sflag:s5] =	ssyncadd.s32 $0xFFFF8000  }
0x31: {  	_ =	swait.ge [sflag:s5], $0x8000  }
0x32: {  	[sflag:s5] =	ssyncset.done $0x0  }
0x33: {  	[sflag:s5] =	ssyncadd.s32 $0xFFFF8000  }
0x34: {  	_ =	swait.ge [sflag:s5], $0x8000  }
0x35: {  	[sflag:s5] =	ssyncset.done $0x0  }
0x36: {  	[sflag:s5] =	ssyncadd.s32 $0xFFFF8000  }
0x37: {  	_ =	swait.ge [sflag:s5], $0x8000  }
0x38: {  	[sflag:s5] =	ssyncset.done $0x0  }
0x39: {  	[sflag:s5] =	ssyncadd.s32 $0xFFFF8000  }
0x3a: {  	_ =	swait.ge [sflag:s5], $0x8000  }
0x3b: {  	[sflag:s5] =	ssyncset.done $0x0  }
0x3c: {  	[sflag:s5] =	ssyncadd.s32 $0xFFFF8000  }
0x3d: {  	_ =	swait.ge [sflag:s5], $0x8000  }
0x3e: {  	[sflag:s5] =	ssyncset.done $0x0  }
0x3f: {  	[sflag:s5] =	ssyncadd.s32 $0xFFFF8000  }
0x40: {  	_ =	swait.ge [sflag:s5], $0x8000  }
0x41: {  	[sflag:s5] =	ssyncset.done $0x0  }
0x42: {  	[sflag:s5] =	ssyncadd.s32 $0xFFFF8000  }
0x43: {  	_ =	swait.ge [sflag:s5], $0x8000  }
0x44: {  	[sflag:s5] =	ssyncset.done $0x0  }
0x45: {  	[sflag:s5] =	ssyncadd.s32 $0xFFFF8000  }
0x46: {  	_ =	swait.ge [sflag:s5], $0x8000  }
0x47: {  	[sflag:s5] =	ssyncset.done $0x0  }
0x48: {  	[sflag:s5] =	ssyncadd.s32 $0xFFFF8000  }
0x49: {  	_ =	swait.ge [sflag:s5], $0x8000  }
0x4a: {  	[sflag:s5] =	ssyncset.done $0x0  }
0x4b: {  	[sflag:s5] =	ssyncadd.s32 $0xFFFF8000  }
0x4c: {  	_ =	swait.ge [sflag:s5], $0x8000  }
0x4d: {  	[sflag:s5] =	ssyncset.done $0x0  }
0x4e: {  	[sflag:s5] =	ssyncadd.s32 $0xFFFF8000  }
0x4f: {  	_ =	swait.ge [sflag:s5], $0x8000  }
0x50: {  	[sflag:s5] =	ssyncset.done $0x0  }
0x51: {  	[sflag:s5] =	ssyncadd.s32 $0xFFFF8000  }
0x52: {  	_ =	swait.ge [sflag:s5], $0x8000  }
0x53: {  	[sflag:s5] =	ssyncset.done $0x0  }
0x54: {  	[sflag:s5] =	ssyncadd.s32 $0xFFFF8000  }
0x55: {  	_ =	swait.ge [sflag:s5], $0x8000  }
0x56: {  	[sflag:s5] =	ssyncset.done $0x0  }
0x57: {  	[sflag:s5] =	ssyncadd.s32 $0xFFFF8000  }
0x58: {  	_ =	swait.ge [sflag:s5], $0x8000  }
0x59: {  	[sflag:s5] =	ssyncset.done $0x0  }
0x5a: {  	[sflag:s5] =	ssyncadd.s32 $0xFFFF8000  }
0x5b: {  	_ =	swait.ge [sflag:s5], $0x8000  }
0x5c: {  	[sflag:s5] =	ssyncset.done $0x0  }
0x5d: {  	[sflag:s5] =	ssyncadd.s32 $0xFFFF8000  }
0x5e: {  	_ =	swait.ge [sflag:s5], $0x8000  }
0x5f: {  	[sflag:s5] =	ssyncset.done $0x0  }
0x60: {  	[sflag:s5] =	ssyncadd.s32 $0xFFFF8000  }
0x61: {  	_ =	swait.ge [sflag:s5], $0x8000  }
0x62: {  	[sflag:s5] =	ssyncset.done $0x0  }
0x63: {  	[sflag:s5] =	ssyncadd.s32 $0xFFFF8000  }
0x64: {  	_ =	swait.ge [sflag:s5], $0x8000  }
0x65: {  	[sflag:s5] =	ssyncset.done $0x0  }
0x66: {  	[sflag:s5] =	ssyncadd.s32 $0xFFFF8000  }
0x67: {  	_ =	swait.ge [sflag:s5], $0x8000  }
0x68: {  	[sflag:s5] =	ssyncset.done $0x0  }
0x69: {  	[sflag:s5] =	ssyncadd.s32 $0xFFFF8000  }
0x6a: {  	_ =	swait.ge [sflag:s5], $0x8000  }
0x6b: {  	[sflag:s5] =	ssyncset.done $0x0  }
0x6c: {  	s19 =	sadd.s32 $0x1, s19;
	[sflag:s5] =	ssyncadd.s32 $0xFFFF8000  }
0x6d: {  	p0 =	seq.s32 s19, s9;
	_ =	swait.ge [sflag:s5], $0x8000  }
.Ltmp1:
0x6e: {  	[sflag:s5] =	ssyncset.done $0x0;
	(pc) =	sbr.rel @p0 .LBB2_13-.Ltmp1, $4  }
0x6f: {  	[sflag:s5] =	ssyncadd.s32 $0xFFFF8000  }
0x70: {  	_ =	swait.ge [sflag:s5], $0x8000  }
0x71: {  	[sflag:s5] =	ssyncset.done $0x0  }
0x72: {  	[sflag:s5] =	ssyncadd.s32 $0xFFFF8000  }
.LBB2_1:
0x73: {  	[tilespmem:s12], [sflag:$0x3] =	stream.linear.gather [hbm4b:s7+s3], $0x80, $0x38;
	[tilespmem:$0x18580] =	vst v63  }
0x74: {  	_ =	swait.ge [sflag:s13], $0x80  }
0x75: {  	[sflag:s13] =	ssyncset.done $0x0  }
0x76: {  	[sflag:s13] =	ssyncadd.s32 $0xFFFFFF80  }
0x77: {  	[tilespmem:s14], [sflag:$0x3] =	stream.linear.gather [hbm4b:s4+s3], $0x80, $0x38;
	[tilespmem:$0x18580] =	vst v63  }
0x78: {  	_ =	swait.ge [sflag:s13], $0x80  }
0x79: {  	s20 =	sand.u32 $0x6000, s3;
	s21 =	sand.u32 $0x380, s3;
	[sflag:s13] =	ssyncset.done $0x0  }
0x7a: {  	s21 =	sor.u32 s21, s20;
	[sflag:s13] =	ssyncadd.s32 $0xFFFFFF80  }
0x7b: {  	[tilespmem:s3], [sflag:$0x2] =	stream.linear.gather [hbm4b:s8+s3], $0x10000, $0x38;
	[tilespmem:$0x18580] =	vst v63  }
0x7c: {  	[tilespmem:s21+$0x10840] =	vst v0  }
0x7d: {  	[tilespmem:s21+$0x10870] =	vst v0  }
0x7e: {  	[tilespmem:s21+$0x10040] =	vst v0  }
0x7f: {  	[tilespmem:s21+$0x10440] =	vst v0  }
0x80: {  	[tilespmem:s21+$0x10860] =	vst v0  }
0x81: {  	[tilespmem:s21+$0x10850] =	vst v0  }
0x82: {  	[tilespmem:s21+$0x10830] =	vst v0  }
0x83: {  	[tilespmem:s21+$0x10820] =	vst v0  }
0x84: {  	[tilespmem:s21+$0x10810] =	vst v0  }
0x85: {  	[tilespmem:s21+$0x10800] =	vst v0  }
0x86: {  	[tilespmem:s21+$0x10470] =	vst v0  }
0x87: {  	[tilespmem:s21+$0x10460] =	vst v0  }
0x88: {  	[tilespmem:s21+$0x10420] =	vst v0  }
0x89: {  	[tilespmem:s21+$0x10410] =	vst v0  }
0x8a: {  	[tilespmem:s21+$0x10400] =	vst v0  }
0x8b: {  	[tilespmem:s21+$0x10070] =	vst v0  }
0x8c: {  	[tilespmem:s21+$0x10060] =	vst v0  }
0x8d: {  	[tilespmem:s21+$0x10050] =	vst v0  }
0x8e: {  	[tilespmem:s21+$0x10450] =	vst v0  }
0x8f: {  	[tilespmem:s21+$0x10030] =	vst v0  }
0x90: {  	[tilespmem:s21+$0x10020] =	vst v0  }
0x91: {  	[tilespmem:s21+$0x10010] =	vst v0  }
0x92: {  	s20 =	sor.u32 s20, s3;
	[tilespmem:s21+$0x10430] =	vst v0  }
0x93: {  	s20 =	sor.u32 $0x10C00, s20;
	[tilespmem:s21+$0x10000] =	vst v0  }
0x94: {  	[tilespmem:s20+$0x70] =	vst v0  }
0x95: {  	[tilespmem:s20+$0x20] =	vst v0  }
0x96: {  	[tilespmem:s20+$0x60] =	vst v0  }
0x97: {  	[tilespmem:s20+$0x10] =	vst v0  }
0x98: {  	[tilespmem:s20+$0x50] =	vst v0  }
0x99: {  	[tilespmem:s20+$0x30] =	vst v0  }
0x9a: {  	[tilespmem:s20+$0x0] =	vst v0  }
0x9b: {  	[tilespmem:s20+$0x40] =	vst v0  }
0x9c: {  	[tilespmem:s21+$0x11840] =	vst v0  }
0x9d: {  	[tilespmem:s21+$0x11870] =	vst v0  }
0x9e: {  	[tilespmem:s21+$0x11440] =	vst v0  }
0x9f: {  	[tilespmem:s21+$0x11860] =	vst v0  }
0xa0: {  	[tilespmem:s21+$0x11850] =	vst v0  }
0xa1: {  	[tilespmem:s21+$0x11820] =	vst v0  }
0xa2: {  	[tilespmem:s21+$0x11830] =	vst v0  }
0xa3: {  	[tilespmem:s21+$0x11800] =	vst v0  }
0xa4: {  	[tilespmem:s21+$0x11810] =	vst v0  }
0xa5: {  	[tilespmem:s21+$0x11040] =	vst v0  }
0xa6: {  	[tilespmem:s21+$0x11470] =	vst v0  }
0xa7: {  	[tilespmem:s21+$0x11460] =	vst v0  }
0xa8: {  	[tilespmem:s21+$0x11450] =	vst v0  }
0xa9: {  	[tilespmem:s21+$0x11430] =	vst v0  }
0xaa: {  	[tilespmem:s21+$0x11420] =	vst v0  }
0xab: {  	[tilespmem:s21+$0x11410] =	vst v0  }
0xac: {  	[tilespmem:s21+$0x11400] =	vst v0  }
0xad: {  	[tilespmem:s21+$0x11070] =	vst v0  }
0xae: {  	[tilespmem:s21+$0x11050] =	vst v0  }
0xaf: {  	[tilespmem:s21+$0x11030] =	vst v0  }
0xb0: {  	[tilespmem:s21+$0x11020] =	vst v0  }
0xb1: {  	[tilespmem:s21+$0x11010] =	vst v0  }
0xb2: {  	s31 =	sor.u32 s3, s3;
	[tilespmem:s21+$0x11060] =	vst v0  }
0xb3: {  	s24 =	sor.u32 $0x11C00, s31;
	[tilespmem:s21+$0x11000] =	vst v0  }
0xb4: {  	[tilespmem:s24+$0x60] =	vst v0  }
0xb5: {  	[tilespmem:s24+$0x50] =	vst v0  }
0xb6: {  	[tilespmem:s24+$0x40] =	vst v0  }
0xb7: {  	[tilespmem:s24+$0x30] =	vst v0  }
0xb8: {  	[tilespmem:s24+$0x20] =	vst v0  }
0xb9: {  	s25 =	simm.s32 $0x400;
	s20 =	simm.s32 $0x80;
	[tilespmem:s24+$0x10] =	vst v0  }
.LBB2_2:
0xba: {  	s26 =	sand.u32 $0x6000, s25  }
0xbb: {  	s23 =	sand.u32 $0x380, s20;
	[tilespmem:s24+$0x0] =	vst v0;
	s22 =	smov.u32 s25;
	s21 =	sadd.s32 $0x400, s25  }
0xbc: {  	p0 =	sne.s32 s25, $0x7C00;
	s23 =	sor.u32 s23, s26;
	s26 =	sor.u32 s26, s20;
	[tilespmem:s24+$0x70] =	vst v0  }
0xbd: {  	[tilespmem:s23+$0x10840] =	vst v0  }
0xbe: {  	[tilespmem:s23+$0x10870] =	vst v0  }
0xbf: {  	[tilespmem:s23+$0x10040] =	vst v0  }
0xc0: {  	[tilespmem:s23+$0x10440] =	vst v0  }
0xc1: {  	[tilespmem:s23+$0x10860] =	vst v0  }
0xc2: {  	[tilespmem:s23+$0x10850] =	vst v0  }
0xc3: {  	[tilespmem:s23+$0x10830] =	vst v0  }
0xc4: {  	[tilespmem:s23+$0x10820] =	vst v0  }
0xc5: {  	[tilespmem:s23+$0x10810] =	vst v0  }
0xc6: {  	[tilespmem:s23+$0x10800] =	vst v0  }
0xc7: {  	[tilespmem:s23+$0x10470] =	vst v0  }
0xc8: {  	[tilespmem:s23+$0x10460] =	vst v0  }
0xc9: {  	[tilespmem:s23+$0x10420] =	vst v0  }
0xca: {  	[tilespmem:s23+$0x10410] =	vst v0  }
0xcb: {  	[tilespmem:s23+$0x10400] =	vst v0  }
0xcc: {  	[tilespmem:s23+$0x10070] =	vst v0  }
0xcd: {  	[tilespmem:s23+$0x10060] =	vst v0  }
0xce: {  	[tilespmem:s23+$0x10050] =	vst v0  }
0xcf: {  	[tilespmem:s23+$0x10450] =	vst v0  }
0xd0: {  	[tilespmem:s23+$0x10030] =	vst v0  }
0xd1: {  	[tilespmem:s23+$0x10020] =	vst v0  }
0xd2: {  	[tilespmem:s23+$0x10010] =	vst v0  }
0xd3: {  	[tilespmem:s23+$0x10430] =	vst v0  }
0xd4: {  	s24 =	sor.u32 $0x10C00, s26;
	[tilespmem:s23+$0x10000] =	vst v0  }
0xd5: {  	[tilespmem:s24+$0x70] =	vst v0  }
0xd6: {  	[tilespmem:s24+$0x20] =	vst v0  }
0xd7: {  	[tilespmem:s24+$0x60] =	vst v0  }
0xd8: {  	[tilespmem:s24+$0x10] =	vst v0  }
0xd9: {  	[tilespmem:s24+$0x50] =	vst v0  }
0xda: {  	[tilespmem:s24+$0x30] =	vst v0  }
0xdb: {  	[tilespmem:s24+$0x0] =	vst v0  }
0xdc: {  	[tilespmem:s24+$0x40] =	vst v0  }
0xdd: {  	[tilespmem:s23+$0x11840] =	vst v0  }
0xde: {  	[tilespmem:s23+$0x11870] =	vst v0  }
0xdf: {  	[tilespmem:s23+$0x11440] =	vst v0  }
0xe0: {  	[tilespmem:s23+$0x11860] =	vst v0  }
0xe1: {  	[tilespmem:s23+$0x11850] =	vst v0  }
0xe2: {  	[tilespmem:s23+$0x11820] =	vst v0  }
0xe3: {  	[tilespmem:s23+$0x11830] =	vst v0  }
0xe4: {  	[tilespmem:s23+$0x11800] =	vst v0  }
0xe5: {  	[tilespmem:s23+$0x11810] =	vst v0  }
0xe6: {  	[tilespmem:s23+$0x11040] =	vst v0  }
0xe7: {  	[tilespmem:s23+$0x11470] =	vst v0  }
0xe8: {  	[tilespmem:s23+$0x11460] =	vst v0  }
0xe9: {  	[tilespmem:s23+$0x11450] =	vst v0  }
0xea: {  	[tilespmem:s23+$0x11430] =	vst v0  }
0xeb: {  	[tilespmem:s23+$0x11420] =	vst v0  }
0xec: {  	[tilespmem:s23+$0x11410] =	vst v0  }
0xed: {  	[tilespmem:s23+$0x11400] =	vst v0  }
0xee: {  	[tilespmem:s23+$0x11070] =	vst v0  }
0xef: {  	[tilespmem:s23+$0x11050] =	vst v0  }
0xf0: {  	[tilespmem:s23+$0x11030] =	vst v0  }
0xf1: {  	[tilespmem:s23+$0x11020] =	vst v0  }
0xf2: {  	[tilespmem:s23+$0x11010] =	vst v0  }
0xf3: {  	s22 =	sor.u32 s22, s20;
	[tilespmem:s23+$0x11060] =	vst v0  }
0xf4: {  	s24 =	sor.u32 $0x11C00, s22;
	[tilespmem:s23+$0x11000] =	vst v0  }
0xf5: {  	[tilespmem:s24+$0x60] =	vst v0  }
.Ltmp2:
0xf6: {  	[tilespmem:s24+$0x50] =	vst v0;
	(pc) =	sbr.rel @p0 .LBB2_2-.Ltmp2, $4  }
0xf7: {  	[tilespmem:s24+$0x40] =	vst v0  }
0xf8: {  	[tilespmem:s24+$0x30] =	vst v0  }
0xf9: {  	[tilespmem:s24+$0x20] =	vst v0  }
0xfa: {  	s20 =	sadd.s32 $0x80, s20;
	s25 =	smov.u32 s21;
	[tilespmem:s24+$0x10] =	vst v0  }
0xfb: {  	[tilespmem:s24+$0x0] =	vst v0  }
0xfc: {  	[tilespmem:s24+$0x70] =	vst v0  }
0xfd: {  	v6 =	vld [tilespmem:$0x18000];
	_ =	sdelay $0x4  }
0xfe: {  	vm0 =	veq.s32 v6, $0x0  }
0xff: {  	v7 =	vsel vm0, $0x1, v1  }
0x100: {  	(xrf0) =	vadd.scan.msk.s32 $0xffff, v7;
	_ =	sdelay $0x5  }
0x101: {  	v7, _, _ =	vpop (xrf0)  }
0x102: {  	vm9 =	veq.s32 v7, $0x0  }
0x103: {  	v6 =	vnsel vm9, $0x0, v6  }
0x104: {  	(xrf0) =	vadd.scan.msk.s32 $0xffff, v6;
	v6 =	vxor.u32 $0x80000000, v7  }
0x105: {  	(xrf0) =	vmax.scan.msk.u32 $0xffff, v6;
	_ =	sdelay $0x4  }
0x106: {  	v7, _, _ =	vpop (xrf0)  }
0x107: {  	v6, _, _ =	vpop (xrf0)  }
0x108: {  	(v2sf) =	vpush v6, $0xF;
	_ =	sdelay $0x2  }
0x109: {  	v6 =	vld [tilespmem:$0x18010];
	_ =	sdelay $0x2  }
0x10a: {  	v8 =	vxor.u32 $0x80000000, v7  }
0x10b: {  	(xrf0) =	vmax.scan.msk.u32 $0xffff, v8  }
0x10c: {  	vm10 =	veq.s32 v6, $0x0  }
0x10d: {  	v8 =	vsel vm10, $0x1, v1  }
0x10e: {  	(xrf0) =	vadd.scan.msk.s32 $0xffff, v8;
	_ =	sdelay $0x2  }
0x10f: {  	v8, _, _ =	vpop (xrf0)  }
0x110: {  	(v2sf) =	vpush v8, $0xF  }
0x111: {  	s20 =	spop (v2sf)  }
0x112: {  	v8, _, _ =	vpop (xrf0);
	s20 =	sxor.u32 $0x80000000, s20  }
0x113: {  	v8 =	vadd.s32 s20, v8  }
0x114: {  	vm11 =	veq.s32 v8, $0x0  }
0x115: {  	v6 =	vnsel vm11, $0x0, v6  }
0x116: {  	(xrf0) =	vadd.scan.msk.s32 $0xffff, v6;
	v6 =	vxor.u32 $0x80000000, v8  }
0x117: {  	(xrf0) =	vmax.scan.msk.u32 $0xffff, v6;
	_ =	sdelay $0x4  }
0x118: {  	v6, _, _ =	vpop (xrf0)  }
0x119: {  	v8, _, _ =	vpop (xrf0)  }
0x11a: {  	(v2sf) =	vpush v8, $0xF  }
0x11b: {  	s25 =	spop (v2sf)  }
0x11c: {  	s20 =	sxor.u32 $0x80000000, s25  }
0x11d: {  	v8 =	vadd.s32 s20, v6;
	v6 =	vld [tilespmem:$0x18020]  }
0x11e: {  	v9 =	vxor.u32 $0x80000000, v8  }
0x11f: {  	(xrf0) =	vmax.scan.msk.u32 $0xffff, v9;
	_ =	sdelay $0x2  }
0x120: {  	vm12 =	veq.s32 v6, $0x0  }
0x121: {  	v54 =	vsel vm12, $0x1, v1  }
0x122: {  	(xrf0) =	vadd.scan.msk.s32 $0xffff, v54  }
0x123: {  	v55, _, _ =	vpop (xrf0)  }
0x124: {  	(v2sf) =	vpush v55, $0xF;
	_ =	sdelay $0x2  }
0x125: {  	s26 =	spop (v2sf)  }
0x126: {  	v56, _, _ =	vpop (xrf0);
	s20 =	sxor.u32 $0x80000000, s26  }
0x127: {  	v9 =	vadd.s32 s20, v56  }
0x128: {  	vm13 =	veq.s32 v9, $0x0  }
0x129: {  	v6 =	vnsel vm13, $0x0, v6  }
0x12a: {  	(xrf0) =	vadd.scan.msk.s32 $0xffff, v6;
	v6 =	vxor.u32 $0x80000000, v9  }
0x12b: {  	(xrf0) =	vmax.scan.msk.u32 $0xffff, v6;
	_ =	sdelay $0x4  }
0x12c: {  	v6, _, _ =	vpop (xrf0)  }
0x12d: {  	s28 =	spop (v2sf);
	v57, _, _ =	vpop (xrf0)  }
0x12e: {  	s20 =	sxor.u32 $0x80000000, s28;
	(v2sf) =	vpush v57, $0xF  }
0x12f: {  	v58 =	vadd.s32 s20, v6  }
0x130: {  	v6 =	vxor.u32 $0x80000000, v58  }
0x131: {  	(xrf0) =	vmax.scan.msk.u32 $0xffff, v6  }
0x132: {  	v6 =	vld [tilespmem:$0x18030];
	_ =	sdelay $0x4  }
0x133: {  	vm14 =	veq.s32 v6, $0x0;
	v10, _, _ =	vpop (xrf0)  }
0x134: {  	v59 =	vsel vm14, $0x1, v1;
	(v2sf) =	vpush v10, $0xF  }
0x135: {  	(xrf0) =	vadd.scan.msk.s32 $0xffff, v59;
	_ =	sdelay $0x3  }
0x136: {  	s29 =	spop (v2sf)  }
0x137: {  	s20 =	sxor.u32 $0x7FFFFFFF, s29  }
0x138: {  	v10, _, _ =	vpop (xrf0);
	s20 =	sadd.s32 $0x1, s20  }
0x139: {  	vm15 =	veq.s32 v10, s20  }
0x13a: {  	v6 =	vnsel vm15, $0x0, v6  }
0x13b: {  	(xrf0) =	vadd.scan.msk.s32 $0xffff, v6;
	_ =	sdelay $0x3  }
0x13c: {  	v6 =	vld [tilespmem:$0x18080]  }
0x13d: {  	s30 =	spop (v2sf)  }
0x13e: {  	s20 =	sxor.u32 $0x80000000, s30;
	v60, _, _ =	vpop (xrf0)  }
0x13f: {  	v10 =	vadd.s32 s20, v60  }
0x140: {  	v11 =	vxor.u32 $0x80000000, v10  }
0x141: {  	v61 =	vxor.u32 $0x80000000, v6;
	(xrf0) =	vmax.scan.msk.u32 $0xffff, v11  }
0x142: {  	(xrf0) =	vmax.scan.msk.u32 $0xffff, v61;
	_ =	sdelay $0x4  }
0x143: {  	v62, _, _ =	vpop (xrf0)  }
0x144: {  	(v2sf) =	vpush v62, $0xF;
	v63, _, _ =	vpop (xrf0)  }
0x145: {  	(v2sf) =	vpush v63, $0xF;
	_ =	sdelay $0xd  }
0x146: {  	s31 =	spop (v2sf)  }
0x147: {  	s21 =	spop (v2sf)  }
0x148: {  	s20 =	sxor.u32 $0x80000000, s31;
	s21 =	sxor.u32 $0x80000000, s21  }
0x149: {  	p0 =	slt.s32 s20, s21  }
0x14a: {  	s21 =	smov.u32 @p0 s20  }
0x14b: {  	s20 =	ssub.s32 s21, s6  }
0x14c: {  	p0 =	sgt.s32 s20, $0x0;
	s21 =	smov.u32 s20  }
0x14d: {  	s21 =	simm.s32 @!p0 $0x0  }
0x14e: {  	s21 =	smin.u32 s21, $0x400  }
0x14f: {  	s21 =	sadd.s32 $0x1F, s21  }
0x150: {  	s22 =	sand.u32 $0xFE0, s21  }
0x151: {  	p0 =	sne.s32 s22, $0x0  }
.Ltmp3:
0x152: {  	[tilespmem:$0x18100] =	vst v7;
	(pc) =	sbr.rel @!p0 .LBB2_8-.Ltmp3, $4  }
0x153: {  	[tilespmem:$0x18110] =	vst v8  }
0x154: {  	[tilespmem:$0x18120] =	vst v58  }
0x155: {  	[tilespmem:$0x18130] =	vst v10  }
0x156: {  	v7 =	vld.idx.msk [tilespmem:v2+s15+$0x0], $0xffff  }
0x157: {  	s22 =	sshrl.u32 s22, $0x4;
	s23 =	simm.s32 $0x18180;
	s24 =	smov.u32 s6  }
.LBB2_5:
0x158: {  	v8 =	vld.idx.msk [tilespmem:v4+s15+$0x0], $0xffff;
	_ =	sdelay $0x3  }
0x159: {  	v9 =	vor.u32 s24, v3  }
0x15a: {  	vm0 =	vgt.s32 v8, v9  }
0x15b: {  	v8 =	vsel vm0, $0x0, v5  }
0x15c: {  	v10 =	vor.u32 $0xF, v8;
	_ =	sdelay $0x4  }
0x15d: {  	v10 =	vld.idx.msk [tilespmem:v10+s15+$0x0], $0xffff;
	_ =	sdelay $0x4  }
0x15e: {  	v60 =	vor.u32 $0x10, v8;
	vm10 =	vgt.s32 v10, v9  }
0x15f: {  	v8 =	vsel vm10, v8, v60  }
0x160: {  	v10 =	vor.u32 $0x7, v8;
	_ =	sdelay $0x4  }
0x161: {  	v10 =	vld.idx.msk [tilespmem:v10+s15+$0x0], $0xffff;
	_ =	sdelay $0x4  }
0x162: {  	v61 =	vor.u32 $0x8, v8;
	vm11 =	vgt.s32 v10, v9  }
0x163: {  	v8 =	vsel vm11, v8, v61  }
0x164: {  	v10 =	vor.u32 $0x3, v8;
	_ =	sdelay $0x4  }
0x165: {  	v10 =	vld.idx.msk [tilespmem:v10+s15+$0x0], $0xffff;
	_ =	sdelay $0x4  }
0x166: {  	v62 =	vor.u32 $0x4, v8;
	vm12 =	vgt.s32 v10, v9  }
0x167: {  	v8 =	vsel vm12, v8, v62  }
0x168: {  	v10 =	vadd.s32 $0x1, v8;
	_ =	sdelay $0x4  }
0x169: {  	v10 =	vld.idx.msk [tilespmem:v10+s15+$0x0], $0xffff;
	_ =	sdelay $0x4  }
0x16a: {  	v63 =	vadd.s32 $0x2, v8;
	vm13 =	vgt.s32 v10, v9  }
0x16b: {  	v8 =	vsel vm13, v8, v63;
	_ =	sdelay $0x4  }
0x16c: {  	v10 =	vld.idx.msk [tilespmem:v8+s15+$0x0], $0xffff;
	_ =	sdelay $0x3  }
0x16d: {  	p0 =	sne.s32 s22, $0x1  }
.Ltmp4:
0x16e: {  	vm14 =	vle.s32 v10, v9;
	(pc) =	sbr.rel @p0 .LBB2_5-.Ltmp4, $4  }
0x16f: {  	vm15 =	vgt.s32 v7, v9;
	vm1 =	vlt.s32 v9, v6;
	v10 =	vsel vm14, $0x1, v1  }
0x170: {  	vm0 =	vmand vm15, vm1;
	v8 =	vadd.s32 v10, v8  }
0x171: {  	v8 =	vnsel vm0, $0x40, v8  }
0x172: {  	s24 =	sadd.s32 $0x10, s24;
	s22 =	sadd.s32 $0xFFFFFFFF, s22;
	[tilespmem:s23+$0x0] =	vst v8;
	s23 =	sadd.s32 $0x10, s23  }
0x173: {  	s22 =	sshll.u32 s21, $0x7  }
0x174: {  	s22 =	sand.u32 $0x7F000, s22  }
0x175: {  	p1 =	seq.s32 s22, $0x80  }
.Ltmp5:
0x176: {  	_ = 	snop;
	(pc) =	sbr.rel @p1 .LBB2_7-.Ltmp5, $4  }
0x177: {  	_ = 	snop  }
0x178: {  	_ =	swait.ge [sflag:s16], $0x10000  }
0x179: {  	s25 =	simm.s32 $0x0;
	[sflag:s16] =	ssyncset.done $0x0  }
0x17a: {  	s23 =	simm.s32 $0x80;
	p0 =	por $0x0, $0x0;
	v6 =	vmov s25;
	[sflag:s16] =	ssyncadd.s32 $0xFFFF0000  }
0x17b: {  	_ =	sdelay $0x3  }
0x17c: {  	v6 =	vld.idx.msk [tilespmem:v6+s18+$0x0], $0xffff;
	_ =	sdelay $0x4  }
0x17d: {  	v6 =	vxor.u32 $0x80000000, v6  }
0x17e: {  	(xrf0) =	vmax.scan.msk.u32 $0xffff, v6;
	_ =	sdelay $0x5  }
0x17f: {  	v6, _, _ =	vpop (xrf0)  }
0x180: {  	(v2sf) =	vpush v6, $0xF;
	_ =	sdelay $0xe  }
0x181: {  	s24 =	sand.u32 $0xFFFFE000, s10;
	s25 =	sand.u32 $0x380, s25;
	s26 =	spop (v2sf)  }
0x182: {  	s24 =	sor.u32 s25, s24;
	s28 =	sshll.u32 s26, $0xA;
	s26 =	sshll.u32 s26, $0x7  }
0x183: {  	s24 =	sshrl.u32 s24, $0x3;
	s30 =	sand.u32 $0xFFFFE000, s28;
	s26 =	sand.u32 $0x380, s26  }
0x184: {  	s24 =	sadd.s32 s2, s24;
	s28 =	sor.u32 s26, s30  }
0x185: {  	[hbm4b:s24+s3] =	stream.linear.scatter [tilespmem:s28], [sflag:$0x1], $0x80, $0x38;
	[tilespmem:$0x18580] =	vst v63  }
0x186: {  	s31 =	sadd.s32 $0x80, s24;
	s25 =	sor.u32 $0x400, s28  }
0x187: {  	[hbm4b:s31+s3] =	stream.linear.scatter [tilespmem:s25], [sflag:$0x1], $0x80, $0x38;
	[tilespmem:$0x18580] =	vst v63  }
0x188: {  	s30 =	sor.u32 $0x800, s28;
	s31 =	sadd.s32 $0x100, s24  }
0x189: {  	[hbm4b:s31+s3] =	stream.linear.scatter [tilespmem:s30], [sflag:$0x1], $0x80, $0x38;
	[tilespmem:$0x18580] =	vst v63  }
0x18a: {  	s30 =	sor.u32 $0xC00, s28;
	s31 =	sadd.s32 $0x180, s24  }
0x18b: {  	[hbm4b:s31+s3] =	stream.linear.scatter [tilespmem:s30], [sflag:$0x1], $0x80, $0x38;
	[tilespmem:$0x18580] =	vst v63  }
0x18c: {  	s30 =	sor.u32 $0x1000, s28;
	s31 =	sadd.s32 $0x200, s24  }
0x18d: {  	[hbm4b:s31+s3] =	stream.linear.scatter [tilespmem:s30], [sflag:$0x1], $0x80, $0x38;
	[tilespmem:$0x18580] =	vst v63  }
0x18e: {  	p1 =	seq.s32 s22, $0x100;
	s26 =	sor.u32 $0x1400, s28;
	s30 =	sadd.s32 $0x280, s24  }
0x18f: {  	[hbm4b:s30+s3] =	stream.linear.scatter [tilespmem:s26], [sflag:$0x1], $0x80, $0x38;
	[tilespmem:$0x18580] =	vst v63  }
.Ltmp6:
0x190: {  	s26 =	simm.s32 $0x1;
	(pc) =	sbr.rel @p1 .LBB2_15-.Ltmp6, $4  }
0x191: {  	p0 =	por $0x1, $0x1;
	v6 =	vmov s26  }
0x192: {  	s29 =	sadd.s32 $0x300, s24;
	s25 =	simm.s32 $0x100;
	s31 =	sor.u32 $0x1800, s28  }
0x193: {  	[hbm4b:s29+s3] =	stream.linear.scatter [tilespmem:s31], [sflag:$0x1], $0x80, $0x38;
	[tilespmem:$0x18580] =	vst v63  }
0x194: {  	s28 =	sor.u32 $0x1C00, s28;
	s29 =	sadd.s32 $0x380, s24;
	s24 =	sadd.s32 $0x400, s10  }
.LBB2_16:
0x195: {  	[hbm4b:s29+s3] =	stream.linear.scatter [tilespmem:s28], [sflag:$0x1], $0x80, $0x38;
	[tilespmem:$0x18580] =	vst v63  }
0x196: {  	s28 =	smov.u32 s25;
	s25 =	sadd.s32 $0x80, s25;
	v6 =	vld.idx.msk [tilespmem:v6+s18+$0x0], $0xffff  }
0x197: {  	p1 =	seq.s32 s22, s25;
	_ =	sdelay $0x4  }
0x198: {  	v6 =	vxor.u32 $0x80000000, v6  }
0x199: {  	(xrf0) =	vmax.scan.msk.u32 $0xffff, v6;
	_ =	sdelay $0x5  }
0x19a: {  	v6, _, _ =	vpop (xrf0)  }
0x19b: {  	(v2sf) =	vpush v6, $0xF;
	_ =	sdelay $0xe  }
0x19c: {  	s29 =	sand.u32 $0xFFFFE000, s24;
	s23 =	sand.u32 $0x380, s23;
	s30 =	spop (v2sf)  }
0x19d: {  	s23 =	sor.u32 s23, s29;
	s31 =	sshll.u32 s30, $0xA;
	s30 =	sshll.u32 s30, $0x7  }
0x19e: {  	s23 =	sshrl.u32 s23, $0x3;
	s29 =	sand.u32 $0xFFFFE000, s31;
	s30 =	sand.u32 $0x380, s30  }
0x19f: {  	s29 =	sor.u32 s30, s29;
	s30 =	sadd.s32 s2, s23;
	s23 =	smov.u32 s28  }
0x1a0: {  	[hbm4b:s30+s3] =	stream.linear.scatter [tilespmem:s29], [sflag:$0x1], $0x80, $0x38;
	[tilespmem:$0x18580] =	vst v63  }
0x1a1: {  	s28 =	sor.u32 $0x400, s29;
	s31 =	sadd.s32 $0x80, s30  }
0x1a2: {  	[hbm4b:s31+s3] =	stream.linear.scatter [tilespmem:s28], [sflag:$0x1], $0x80, $0x38;
	[tilespmem:$0x18580] =	vst v63  }
0x1a3: {  	s28 =	sor.u32 $0x800, s29;
	s31 =	sadd.s32 $0x100, s30  }
0x1a4: {  	[hbm4b:s31+s3] =	stream.linear.scatter [tilespmem:s28], [sflag:$0x1], $0x80, $0x38;
	[tilespmem:$0x18580] =	vst v63  }
0x1a5: {  	s28 =	sor.u32 $0xC00, s29;
	s31 =	sadd.s32 $0x180, s30  }
0x1a6: {  	[hbm4b:s31+s3] =	stream.linear.scatter [tilespmem:s28], [sflag:$0x1], $0x80, $0x38;
	[tilespmem:$0x18580] =	vst v63  }
0x1a7: {  	s26 =	sadd.s32 $0x1, s26;
	s28 =	sor.u32 $0x1000, s29;
	s31 =	sadd.s32 $0x200, s30  }
0x1a8: {  	[hbm4b:s31+s3] =	stream.linear.scatter [tilespmem:s28], [sflag:$0x1], $0x80, $0x38;
	[tilespmem:$0x18580] =	vst v63  }
.Ltmp7:
0x1a9: {  	s28 =	sor.u32 $0x1400, s29;
	s31 =	sadd.s32 $0x280, s30;
	(pc) =	sbr.rel @!p1 .LBB2_16-.Ltmp7, $4  }
0x1aa: {  	v6 =	vmov s26;
	[hbm4b:s31+s3] =	stream.linear.scatter [tilespmem:s28], [sflag:$0x1], $0x80, $0x38;
	[tilespmem:$0x18580] =	vst v63  }
0x1ab: {  	s28 =	sor.u32 $0x1800, s29;
	s31 =	sadd.s32 $0x300, s30  }
0x1ac: {  	[hbm4b:s31+s3] =	stream.linear.scatter [tilespmem:s28], [sflag:$0x1], $0x80, $0x38;
	[tilespmem:$0x18580] =	vst v63  }
0x1ad: {  	s24 =	sadd.s32 $0x400, s24;
	s28 =	sor.u32 $0x1C00, s29;
	s29 =	sadd.s32 $0x380, s30  }
0x1ae: {  	s25 =	smov.u32 s23  }
.LBB2_18:
0x1af: {  	_ =	sdelay $0x2  }
0x1b0: {  	[hbm4b:s29+s3] =	stream.linear.scatter @p0 [tilespmem:s28], [sflag:$0x1], $0x80, $0x38;
	[tilespmem:$0x18580] =	vst v63  }
0x1b1: {  	v6 =	vld.idx.msk [tilespmem:v6+s18+$0x0], $0xffff;
	_ =	sdelay $0x4  }
0x1b2: {  	v6 =	vxor.u32 $0x80000000, v6  }
0x1b3: {  	(xrf0) =	vmax.scan.msk.u32 $0xffff, v6;
	_ =	sdelay $0x5  }
0x1b4: {  	v6, _, _ =	vpop (xrf0)  }
0x1b5: {  	(v2sf) =	vpush v6, $0xF;
	_ =	sdelay $0xe  }
0x1b6: {  	s22 =	sand.u32 $0xFFFFE000, s24;
	s23 =	sand.u32 $0x380, s25;
	s30 =	spop (v2sf)  }
0x1b7: {  	s22 =	sor.u32 s23, s22;
	s31 =	sshll.u32 s30, $0xA;
	s24 =	sshll.u32 s30, $0x7  }
0x1b8: {  	s22 =	sshrl.u32 s22, $0x3;
	s25 =	sand.u32 $0xFFFFE000, s31;
	s24 =	sand.u32 $0x380, s24  }
0x1b9: {  	s22 =	sadd.s32 s2, s22;
	s23 =	sor.u32 s24, s25  }
0x1ba: {  	[hbm4b:s22+s3] =	stream.linear.scatter [tilespmem:s23], [sflag:$0x1], $0x80, $0x38;
	[tilespmem:$0x18580] =	vst v63  }
0x1bb: {  	s26 =	sadd.s32 $0x80, s22;
	s24 =	sor.u32 $0x400, s23  }
0x1bc: {  	[hbm4b:s26+s3] =	stream.linear.scatter [tilespmem:s24], [sflag:$0x1], $0x80, $0x38;
	[tilespmem:$0x18580] =	vst v63  }
0x1bd: {  	s29 =	sadd.s32 $0x100, s22;
	s28 =	sor.u32 $0x800, s23  }
0x1be: {  	[hbm4b:s29+s3] =	stream.linear.scatter [tilespmem:s28], [sflag:$0x1], $0x80, $0x38;
	[tilespmem:$0x18580] =	vst v63  }
0x1bf: {  	s31 =	sadd.s32 $0x180, s22;
	s30 =	sor.u32 $0xC00, s23  }
0x1c0: {  	[hbm4b:s31+s3] =	stream.linear.scatter [tilespmem:s30], [sflag:$0x1], $0x80, $0x38;
	[tilespmem:$0x18580] =	vst v63  }
0x1c1: {  	s25 =	sor.u32 $0x1000, s23;
	s26 =	sadd.s32 $0x200, s22  }
0x1c2: {  	[hbm4b:s26+s3] =	stream.linear.scatter [tilespmem:s25], [sflag:$0x1], $0x80, $0x38;
	[tilespmem:$0x18580] =	vst v63  }
0x1c3: {  	s28 =	sor.u32 $0x1400, s23;
	s29 =	sadd.s32 $0x280, s22  }
0x1c4: {  	[hbm4b:s29+s3] =	stream.linear.scatter [tilespmem:s28], [sflag:$0x1], $0x80, $0x38;
	[tilespmem:$0x18580] =	vst v63  }
.Ltmp8:
0x1c5: {  	_ = 	snop;
	(pc) =	sbr.rel .LBB2_9-.Ltmp8, $4  }
0x1c6: {  	s30 =	sor.u32 $0x1800, s23;
	s31 =	sadd.s32 $0x300, s22  }
0x1c7: {  	[hbm4b:s31+s3] =	stream.linear.scatter [tilespmem:s30], [sflag:$0x1], $0x80, $0x38;
	[tilespmem:$0x18580] =	vst v63  }
0x1c8: {  	s23 =	sor.u32 $0x1C00, s23;
	s22 =	sadd.s32 $0x380, s22  }
0x1c9: {  	[hbm4b:s22+s3] =	stream.linear.scatter [tilespmem:s23], [sflag:$0x1], $0x80, $0x38;
	[tilespmem:$0x18580] =	vst v63  }
.LBB2_8:
0x1ca: {  	_ =	swait.ge [sflag:s16], $0x10000  }
0x1cb: {  	[sflag:s16] =	ssyncset.done $0x0  }
0x1cc: {  	[sflag:s16] =	ssyncadd.s32 $0xFFFF0000  }
.LBB2_9:
0x1cd: {  	p0 =	sgt.s32 s20, $0x3E0  }
.Ltmp9:
0x1ce: {  	_ = 	snop;
	(pc) =	sbr.rel @p0 .LBB2_12-.Ltmp9, $1  }
0x1cf: {  	_ =	sdelay $0x3  }
0x1d0: {  	s20 =	sshrl.u32 s21, $0x5  }
0x1d1: {  	s21 =	smax.u32 s20, $0x1F  }
0x1d2: {  	s21 =	ssub.s32 s21, s20  }
0x1d3: {  	s21 =	sadd.s32 $0x1, s21  }
0x1d4: {  	p0 =	seq.s32 s21, $0x1  }
.Ltmp10:
0x1d5: {  	_ = 	snop;
	(pc) =	sbr.rel @p0 .LBB2_12-.Ltmp10, $4  }
0x1d6: {  	s20 =	sshll.u32 s20, $0xC  }
0x1d7: {  	s20 =	sadd.s32 s20, s11  }
0x1d8: {  	[hbm4b:s20+s3] =	stream.linear.scatter [tilespmem:s17], [sflag:$0x1], $0x8000, $0x38;
	[tilespmem:$0x18580] =	vst v63  }
0x1d9: {  	s21 =	sadd.s32 $0xFFFFFFFF, s21  }
.LBB2_11:
0x1da: {  	p0 =	seq.s32 s21, $0x1  }
.Ltmp11:
0x1db: {  	_ = 	snop;
	(pc) =	sbr.rel @!p0 .LBB2_11-.Ltmp11, $3  }
0x1dc: {  	_ = 	snop  }
0x1dd: {  	s21 =	sadd.s32 $0xFFFFFFFF, s21;
	s20 =	sadd.s32 $0x1000, s20;
	_ =	sdelay $0x1  }
0x1de: {  	[hbm4b:s20+s3] =	stream.linear.scatter [tilespmem:s17], [sflag:$0x1], $0x8000, $0x38;
	[tilespmem:$0x18580] =	vst v63  }
.Ltmp12:
0x1df: {  	_ = 	snop;
	(pc) =	sbr.rel .LBB2_12-.Ltmp12, $1  }
0x1e0: {  	_ =	sdelay $0x3  }
.LBB2_7:
.Ltmp13:
0x1e1: {  	(pc) =	sbr.rel .LBB2_18-.Ltmp13, $2  }
0x1e2: {  	_ =	sdelay $0x2  }
0x1e3: {  	s24 =	smov.u32 s10  }
.LBB2_15:
.Ltmp14:
0x1e4: {  	(pc) =	sbr.rel .LBB2_18-.Ltmp14, $2  }
0x1e5: {  	_ =	sdelay $0x2  }
0x1e6: {  	s25 =	simm.s32 $0x80  }
.LBB2_13:
0x1e7: {  	_ =	sfence.sel $0x180000  }
0x1e8: {  	[bflag:$0x0] =	sbarrier.arrive $0xFFFF  }
0x1e9: {  	p0 =	sne.s32 s0, $0x0;
	_ =	strace $0x90000047  }
0x1ea: {  	s0 =	sadd.s32 @!p0 $0x100000, s1;
	[bflag:$0x2] =	sbarrier.arrive $0xFFFF  }
0x1eb: {  	[sflag:s0] =	ssyncadd.tile.s32 @!p0 $0x1;
	_ =	shalt  }
.Lfunc_end2:
_tile_overlayer_lowered:
.L_overlay_start_2:
0x1ec: {  	(tag) =	ssettag $0x2  }
0x1ed: {  	s0 =	rddreg [dreg:$0x0];
	s2 =	stileid.u32  }
0x1ee: {  	s1 =	rddreg [dreg:$0x1];
	p0 =	sne.s32 s2, $0x0  }
0x1ef: {  	s3 =	rddreg [dreg:$0x2];
	[bflag:$0x3] =	sbarrier.arrive $0xFFFF;
	s2 =	simm.s32 @!p0 $0x1C03  }
0x1f0: {  	[timem:s3], [sflag:s2] =	dma.local @!p0 [hbm:s0], s1  }
0x1f1: {  	s0 =	simm.s32 @!p0 $0x3  }
0x1f2: {  	_ =	swait.ge @!p0 [sflag:s0], s1  }
0x1f3: {  	s1 =	ssub.s32 @!p0 $0x0, s1;
	[sflag:s0] =	ssyncset.done @!p0 $0x0  }
0x1f4: {  	[sflag:s0] =	ssyncadd.s32 @!p0 s1  }
0x1f5: {  	[bflag:$0x3] =	sbarrier.arrive $0xFFFF  }
0x1f6: {  	_ =	shalt  }

</sc_bundles>
